<compile_context>
chip_gen: v7x
topology: tpu7x:2x2x1
jax: 0.10.2.dev20260603
libtpu: 0.0.44.dev20260713+nightly
codegen_flags: <defaults>
</compile_context>

<pallas_src>
import functools

import jax
import jax.numpy as jnp
import numpy as np
from jax import lax
from jax.experimental import pallas as pl
from jax.experimental.pallas import tpu as pltpu
from jax.experimental.pallas import tpu_sc as plsc

_SIGMA = 0.2
_B = 64
_H = 28
_W = 28
_C = 384
_R = _B * _H


def _consts():
    cpu = jax.devices("cpu")[0]
    with jax.default_device(cpu):
        key = jax.random.key(42)
        k1, k2, k3 = jax.random.split(key, 3)
        indices = jax.random.permutation(k1, _B)
        rs = (1, _H, _W, _C)
        r = jax.random.normal(k2, rs, dtype=jnp.float16) * jnp.float16(_SIGMA)
        theta = jax.random.uniform(
            k3, rs, dtype=jnp.float16, minval=-np.pi, maxval=np.pi)
        a = (jnp.float16(1.0) + r * jnp.cos(theta)).astype(jnp.float32)
        b = (r * jnp.sin(theta)).astype(jnp.float32)
        a_np = np.asarray(a).reshape(_H, _W, _C)
        b_np = np.asarray(b).reshape(_H, _W, _C)
        perm_np = np.zeros(_B + 16, dtype=np.int32)
        perm_np[:_B] = np.asarray(indices, dtype=np.int32)
    return a_np, b_np, perm_np


_A_NP, _B_NP, _PERM_NP = _consts()


def _plane_mix(dst, xs, xp, av, bv):
    def row(r, c):
        def chunk(j, c2):
            base = j * 128
            for u in range(8):
                sl = pl.ds(base + u * 16, 16)
                dst[r, sl] = xs[r, sl] * av[r, sl] + xp[r, sl] * bv[r, sl]
            return c2
        lax.fori_loop(0, _C // 128, chunk, 0, unroll=False)
        return c
    lax.fori_loop(0, _W, row, 0, unroll=False)


def _sc_mix(x3, a2, b2, permv):
    mesh = plsc.VectorSubcoreMesh(core_axis_name="c", subcore_axis_name="s")

    @functools.partial(
        pl.kernel,
        out_type=jax.ShapeDtypeStruct((_B, _H, _W, _C), jnp.float32),
        mesh=mesh,
        compiler_params=pltpu.CompilerParams(use_tc_tiling_on_sc=True),
        scratch_types=[
            pltpu.VMEM((_W, _C), jnp.float32),
            pltpu.VMEM((_W, _C), jnp.float32),
            pltpu.VMEM((_W, _C), jnp.float32),
            pltpu.VMEM((_W, _C), jnp.float32),
            pltpu.VMEM((_W, _C), jnp.float32),
            pltpu.VMEM((_W, _C), jnp.float32),
            pltpu.VMEM((_W, _C), jnp.float32),
            pltpu.VMEM((_W, _C), jnp.float32),
            pltpu.VMEM((_B + 16,), jnp.int32),
            pltpu.SemaphoreType.DMA,
            pltpu.SemaphoreType.DMA,
            pltpu.SemaphoreType.DMA,
            pltpu.SemaphoreType.DMA,
            pltpu.SemaphoreType.DMA,
            pltpu.SemaphoreType.DMA,
        ],
    )
    def k(x_hbm, a_hbm, b_hbm, p_hbm, out_hbm,
          a_v, b_v, xs0, xp0, xs1, xp1, st0, st1, p_v,
          sxs0, sxp0, sxs1, sxp1, so0, so1):
        cid = lax.axis_index("c")
        sid = lax.axis_index("s")
        wid = sid * 2 + cid

        xs = (xs0, xs1)
        xp = (xp0, xp1)
        sxs = (sxs0, sxs1)
        sxp = (sxp0, sxp1)
        st = (st0, st1)
        so = (so0, so1)

        @pl.when(wid < _H)
        def _():
            pltpu.sync_copy(a_hbm.at[wid], a_v)
            pltpu.sync_copy(b_hbm.at[wid], b_v)
            pltpu.sync_copy(p_hbm, p_v)

            def start_fetch(t, j):
                pltpu.make_async_copy(
                    x_hbm.at[t, wid], xs[j], sxs[j]).start()
                pr = p_v[pl.ds(t, 16)][0]
                pltpu.make_async_copy(
                    x_hbm.at[pr, wid], xp[j], sxp[j]).start()

            def wait_fetch(j):
                pltpu.make_async_copy(
                    x_hbm.at[0, wid], xs[j], sxs[j]).wait()
                pltpu.make_async_copy(
                    x_hbm.at[0, wid], xp[j], sxp[j]).wait()

            def substep(t, j):
                @pl.when(t + 1 < _B)
                def _():
                    start_fetch(t + 1, 1 - j)
                wait_fetch(j)

                @pl.when(t >= 2)
                def _():
                    tm2 = jnp.maximum(t - 2, 0)
                    pltpu.make_async_copy(
                        st[j], out_hbm.at[tm2, wid], so[j]).wait()
                _plane_mix(st[j], xs[j], xp[j], a_v, b_v)
                pltpu.make_async_copy(
                    st[j], out_hbm.at[t, wid], so[j]).start()

            start_fetch(0, 0)

            def pair(kk, c):
                substep(2 * kk, 0)
                substep(2 * kk + 1, 1)
                return c
            lax.fori_loop(0, 2, pair, 0, unroll=False)

            pltpu.make_async_copy(
                st[0], out_hbm.at[_B - 2, wid], so[0]).wait()
            pltpu.make_async_copy(
                st[1], out_hbm.at[_B - 1, wid], so[1]).wait()

    return k(x3, a2, b2, permv)


def kernel(x):
    a2 = jnp.asarray(_A_NP)
    b2 = jnp.asarray(_B_NP)
    permv = jnp.asarray(_PERM_NP)
    return _sc_mix(x, a2, b2, permv)

# --- scband reference (transcript-rebuilt; emitter-appended) ---
"""Pipeline reference for scband-mix-feat-1133871366314 (READ-ONLY COPY).

The authoritative reference and input builder live on the scoring server;
editing this copy changes nothing except your own understanding.
"""

import jax, jax.numpy as jnp
import numpy as np

SIGMA = 0.2

def setup_inputs(seed: int = 0) -> dict:
    key = jax.random.key(seed)
    x = jax.random.normal(key, (64, 28, 28, 384), dtype=jnp.float32)
    return {"x": x}

def reference(x):
    # MixFeat (training branch): y = x * a + x[shuffle] * b
    # a = 1 + r*cos(theta), b = r*sin(theta), r ~ N(0, sigma), theta ~ U(-pi, pi)
    # r/theta sampled in float16 then cast to float32, broadcast over batch dim,
    # matching the original Keras implementation.
    key = jax.random.key(42)
    k1, k2, k3 = jax.random.split(key, 3)
    B = x.shape[0]
    indices = jax.random.permutation(k1, B)
    rs = (1,) + tuple(x.shape[1:])
    r = jax.random.normal(k2, rs, dtype=jnp.float16) * jnp.float16(SIGMA)
    theta = jax.random.uniform(k3, rs, dtype=jnp.float16, minval=-np.pi, maxval=np.pi)
    a = (jnp.float16(1.0) + r * jnp.cos(theta)).astype(jnp.float32)
    b = (r * jnp.sin(theta)).astype(jnp.float32)
    y = x * a + jnp.take(x, indices, axis=0) * b
    return y

if __name__ == "__main__":
    import jax
    _d = setup_inputs()
    print(jax.jit(kernel)(*tuple(_d.values())))

</pallas_src>

<mosaic_0001>
#map = affine_map<(d0, d1) -> (0, 0, 0, 0)>
#map1 = affine_map<(d0, d1) -> (0, 0, 0)>
#map2 = affine_map<(d0, d1) -> (0)>
module attributes {stable_mosaic.version = 14 : i64} {
  func.func @k(%arg0: i32, %arg1: i32, %arg2: memref<64x28x28x384xf32, #tpu.memory_space<hbm>>, %arg3: memref<28x28x384xf32, #tpu.memory_space<hbm>>, %arg4: memref<28x28x384xf32, #tpu.memory_space<hbm>>, %arg5: memref<80xi32, #tpu.memory_space<hbm>>, %arg6: memref<64x28x28x384xf32, #tpu.memory_space<hbm>>, %arg7: memref<28x384xf32, #tpu.memory_space<vmem>>, %arg8: memref<28x384xf32, #tpu.memory_space<vmem>>, %arg9: memref<28x384xf32, #tpu.memory_space<vmem>>, %arg10: memref<28x384xf32, #tpu.memory_space<vmem>>, %arg11: memref<28x384xf32, #tpu.memory_space<vmem>>, %arg12: memref<28x384xf32, #tpu.memory_space<vmem>>, %arg13: memref<28x384xf32, #tpu.memory_space<vmem>>, %arg14: memref<28x384xf32, #tpu.memory_space<vmem>>, %arg15: memref<80xi32, #tpu.memory_space<vmem>>, %arg16: memref<!tpu.dma_semaphore, #tpu.memory_space<semaphore_mem>>, %arg17: memref<!tpu.dma_semaphore, #tpu.memory_space<semaphore_mem>>, %arg18: memref<!tpu.dma_semaphore, #tpu.memory_space<semaphore_mem>>, %arg19: memref<!tpu.dma_semaphore, #tpu.memory_space<semaphore_mem>>, %arg20: memref<!tpu.dma_semaphore, #tpu.memory_space<semaphore_mem>>, %arg21: memref<!tpu.dma_semaphore, #tpu.memory_space<semaphore_mem>>) attributes {dimension_semantics = [#tpu.dimension_semantics<core_parallel>, #tpu.dimension_semantics<subcore_parallel>], iteration_bounds = array<i64: 2, 16>, scalar_prefetch = 0 : i64, scratch_operands = 15 : i64, tpu.core_type = #tpu.core_type<sc_vector_subcore>, window_params = [{transform_indices = #map}, {transform_indices = #map1}, {transform_indices = #map1}, {transform_indices = #map2}, {transform_indices = #map}]} {
    %mul3A = arith.constant 2 : i32
    %mul3A_0 = arith.muli %arg1, %mul3A : i32
    %add3A = arith.addi %mul3A_0, %arg0 : i32
    %lt3A = arith.constant 28 : i32
    %lt3A_1 = arith.cmpi slt, %add3A, %lt3A : i32
    %convert_element_type3A = arith.extui %lt3A_1 : i1 to i32
    %cond3A = arith.constant 0 : i32
    %cond3A_2 = arith.cmpi ne, %convert_element_type3A, %cond3A : i32
    scf.if %cond3A_2 {
      "tpu.region"() ({
        %run_scoped3A = tpu.sem_alloc : memref<!tpu.dma_semaphore, #tpu.memory_space<semaphore_mem>>
        %dma_start3A_43 = arith.constant 0 : i32
        %dma_start3A_44 = arith.constant 0 : i32
        %dma_start3A_45 = tpu.memref_slice %arg3[%add3A, %dma_start3A_43, %dma_start3A_44] : memref<28x28x384xf32, #tpu.memory_space<hbm>> -> memref<1x28x384xf32, #tpu.memory_space<hbm>>
        %dma_start3A_46 = tpu.memref_squeeze %dma_start3A_45 : memref<1x28x384xf32, #tpu.memory_space<hbm>> -> memref<28x384xf32, #tpu.memory_space<hbm>>
        %dma_start3A_47 = arith.constant 0 : i32
        %dma_start3A_48 = arith.constant 0 : i32
        %dma_start3A_49 = tpu.memref_slice %arg3[%add3A, %dma_start3A_47, %dma_start3A_48] : memref<28x28x384xf32, #tpu.memory_space<hbm>> -> memref<1x28x384xf32, #tpu.memory_space<hbm>>
        %dma_start3A_50 = tpu.memref_squeeze %dma_start3A_49 : memref<1x28x384xf32, #tpu.memory_space<hbm>> -> memref<28x384xf32, #tpu.memory_space<hbm>>
        tpu.enqueue_dma source(%dma_start3A_50 : memref<28x384xf32, #tpu.memory_space<hbm>>) target(%arg7 : memref<28x384xf32, #tpu.memory_space<vmem>>) target_semaphore(%run_scoped3A : memref<!tpu.dma_semaphore, #tpu.memory_space<semaphore_mem>>)
        %dma_wait3A_51 = arith.constant 0 : i32
        %dma_wait3A_52 = arith.constant 0 : i32
        %dma_wait3A_53 = tpu.memref_slice %arg3[%add3A, %dma_wait3A_51, %dma_wait3A_52] : memref<28x28x384xf32, #tpu.memory_space<hbm>> -> memref<1x28x384xf32, #tpu.memory_space<hbm>>
        %dma_wait3A_54 = tpu.memref_squeeze %dma_wait3A_53 : memref<1x28x384xf32, #tpu.memory_space<hbm>> -> memref<28x384xf32, #tpu.memory_space<hbm>>
        %dma_wait3A_55 = arith.constant 0 : i32
        %dma_wait3A_56 = arith.constant 0 : i32
        %dma_wait3A_57 = tpu.memref_slice %arg3[%add3A, %dma_wait3A_55, %dma_wait3A_56] : memref<28x28x384xf32, #tpu.memory_space<hbm>> -> memref<1x28x384xf32, #tpu.memory_space<hbm>>
        %dma_wait3A_58 = tpu.memref_squeeze %dma_wait3A_57 : memref<1x28x384xf32, #tpu.memory_space<hbm>> -> memref<28x384xf32, #tpu.memory_space<hbm>>
        tpu.wait_dma2 semaphore(%run_scoped3A : memref<!tpu.dma_semaphore, #tpu.memory_space<semaphore_mem>>) src(%dma_wait3A_58 : memref<28x384xf32, #tpu.memory_space<hbm>>) dst(%arg7 : memref<28x384xf32, #tpu.memory_space<vmem>>)
        tpu.yield
      }) : () -> ()
      "tpu.region"() ({
        %run_scoped3A = tpu.sem_alloc : memref<!tpu.dma_semaphore, #tpu.memory_space<semaphore_mem>>
        %dma_start3A_43 = arith.constant 0 : i32
        %dma_start3A_44 = arith.constant 0 : i32
        %dma_start3A_45 = tpu.memref_slice %arg4[%add3A, %dma_start3A_43, %dma_start3A_44] : memref<28x28x384xf32, #tpu.memory_space<hbm>> -> memref<1x28x384xf32, #tpu.memory_space<hbm>>
        %dma_start3A_46 = tpu.memref_squeeze %dma_start3A_45 : memref<1x28x384xf32, #tpu.memory_space<hbm>> -> memref<28x384xf32, #tpu.memory_space<hbm>>
        %dma_start3A_47 = arith.constant 0 : i32
        %dma_start3A_48 = arith.constant 0 : i32
        %dma_start3A_49 = tpu.memref_slice %arg4[%add3A, %dma_start3A_47, %dma_start3A_48] : memref<28x28x384xf32, #tpu.memory_space<hbm>> -> memref<1x28x384xf32, #tpu.memory_space<hbm>>
        %dma_start3A_50 = tpu.memref_squeeze %dma_start3A_49 : memref<1x28x384xf32, #tpu.memory_space<hbm>> -> memref<28x384xf32, #tpu.memory_space<hbm>>
        tpu.enqueue_dma source(%dma_start3A_50 : memref<28x384xf32, #tpu.memory_space<hbm>>) target(%arg8 : memref<28x384xf32, #tpu.memory_space<vmem>>) target_semaphore(%run_scoped3A : memref<!tpu.dma_semaphore, #tpu.memory_space<semaphore_mem>>)
        %dma_wait3A_51 = arith.constant 0 : i32
        %dma_wait3A_52 = arith.constant 0 : i32
        %dma_wait3A_53 = tpu.memref_slice %arg4[%add3A, %dma_wait3A_51, %dma_wait3A_52] : memref<28x28x384xf32, #tpu.memory_space<hbm>> -> memref<1x28x384xf32, #tpu.memory_space<hbm>>
        %dma_wait3A_54 = tpu.memref_squeeze %dma_wait3A_53 : memref<1x28x384xf32, #tpu.memory_space<hbm>> -> memref<28x384xf32, #tpu.memory_space<hbm>>
        %dma_wait3A_55 = arith.constant 0 : i32
        %dma_wait3A_56 = arith.constant 0 : i32
        %dma_wait3A_57 = tpu.memref_slice %arg4[%add3A, %dma_wait3A_55, %dma_wait3A_56] : memref<28x28x384xf32, #tpu.memory_space<hbm>> -> memref<1x28x384xf32, #tpu.memory_space<hbm>>
        %dma_wait3A_58 = tpu.memref_squeeze %dma_wait3A_57 : memref<1x28x384xf32, #tpu.memory_space<hbm>> -> memref<28x384xf32, #tpu.memory_space<hbm>>
        tpu.wait_dma2 semaphore(%run_scoped3A : memref<!tpu.dma_semaphore, #tpu.memory_space<semaphore_mem>>) src(%dma_wait3A_58 : memref<28x384xf32, #tpu.memory_space<hbm>>) dst(%arg8 : memref<28x384xf32, #tpu.memory_space<vmem>>)
        tpu.yield
      }) : () -> ()
      "tpu.region"() ({
        %run_scoped3A = tpu.sem_alloc : memref<!tpu.dma_semaphore, #tpu.memory_space<semaphore_mem>>
        tpu.enqueue_dma source(%arg5 : memref<80xi32, #tpu.memory_space<hbm>>) target(%arg15 : memref<80xi32, #tpu.memory_space<vmem>>) target_semaphore(%run_scoped3A : memref<!tpu.dma_semaphore, #tpu.memory_space<semaphore_mem>>)
        tpu.wait_dma2 semaphore(%run_scoped3A : memref<!tpu.dma_semaphore, #tpu.memory_space<semaphore_mem>>) src(%arg5 : memref<80xi32, #tpu.memory_space<hbm>>) dst(%arg15 : memref<80xi32, #tpu.memory_space<vmem>>)
        tpu.yield
      }) : () -> ()
      %dma_start3A = arith.constant 0 : i32
      %dma_start3A_3 = arith.constant 0 : i32
      %dma_start3A_4 = arith.constant 0 : i32
      %dma_start3A_5 = tpu.memref_slice %arg2[%dma_start3A, %add3A, %dma_start3A_3, %dma_start3A_4] : memref<64x28x28x384xf32, #tpu.memory_space<hbm>> -> memref<1x1x28x384xf32, #tpu.memory_space<hbm>>
      %dma_start3A_6 = tpu.memref_squeeze %dma_start3A_5 : memref<1x1x28x384xf32, #tpu.memory_space<hbm>> -> memref<28x384xf32, #tpu.memory_space<hbm>>
      %dma_start3A_7 = arith.constant 0 : i32
      %dma_start3A_8 = arith.constant 0 : i32
      %dma_start3A_9 = tpu.memref_slice %arg2[%dma_start3A, %add3A, %dma_start3A_7, %dma_start3A_8] : memref<64x28x28x384xf32, #tpu.memory_space<hbm>> -> memref<1x1x28x384xf32, #tpu.memory_space<hbm>>
      %dma_start3A_10 = tpu.memref_squeeze %dma_start3A_9 : memref<1x1x28x384xf32, #tpu.memory_space<hbm>> -> memref<28x384xf32, #tpu.memory_space<hbm>>
      tpu.enqueue_dma source(%dma_start3A_10 : memref<28x384xf32, #tpu.memory_space<hbm>>) target(%arg9 : memref<28x384xf32, #tpu.memory_space<vmem>>) target_semaphore(%arg16 : memref<!tpu.dma_semaphore, #tpu.memory_space<semaphore_mem>>)
      %get3A = arith.constant 0 : index
      %get3A_11 = tpu.vector_load %arg15[%get3A] {strides = array<i32>} : memref<80xi32, #tpu.memory_space<vmem>>, vector<16xi32>,
      %get3A_12 = vector.shape_cast %get3A_11 : vector<16xi32> to vector<16xi32>
      %slice3A = vector.extract_strided_slice %get3A_12 {offsets = [0], sizes = [1], strides = [1]} : vector<16xi32> to vector<1xi32>
      %squeeze3A = vector.extract %slice3A[0] : i32 from vector<1xi32>
      %dma_start3A_13 = arith.constant 0 : i32
      %dma_start3A_14 = arith.constant 0 : i32
      %dma_start3A_15 = tpu.memref_slice %arg2[%squeeze3A, %add3A, %dma_start3A_13, %dma_start3A_14] : memref<64x28x28x384xf32, #tpu.memory_space<hbm>> -> memref<1x1x28x384xf32, #tpu.memory_space<hbm>>
      %dma_start3A_16 = tpu.memref_squeeze %dma_start3A_15 : memref<1x1x28x384xf32, #tpu.memory_space<hbm>> -> memref<28x384xf32, #tpu.memory_space<hbm>>
      %dma_start3A_17 = arith.constant 0 : i32
      %dma_start3A_18 = arith.constant 0 : i32
      %dma_start3A_19 = tpu.memref_slice %arg2[%squeeze3A, %add3A, %dma_start3A_17, %dma_start3A_18] : memref<64x28x28x384xf32, #tpu.memory_space<hbm>> -> memref<1x1x28x384xf32, #tpu.memory_space<hbm>>
      %dma_start3A_20 = tpu.memref_squeeze %dma_start3A_19 : memref<1x1x28x384xf32, #tpu.memory_space<hbm>> -> memref<28x384xf32, #tpu.memory_space<hbm>>
      tpu.enqueue_dma source(%dma_start3A_20 : memref<28x384xf32, #tpu.memory_space<hbm>>) target(%arg10 : memref<28x384xf32, #tpu.memory_space<vmem>>) target_semaphore(%arg17 : memref<!tpu.dma_semaphore, #tpu.memory_space<semaphore_mem>>)
      %scan3A = arith.constant 0 : i32
      %scan3A_21 = arith.constant 0 : i32
      %scan3A_22 = arith.constant 2 : i32
      %scan3A_23 = arith.addi %scan3A_21, %scan3A_22 : i32
      %scan3A_24 = arith.constant 1 : i32
      scf.for %scan3A_43 = %scan3A_21 to %scan3A_23 step %scan3A_24  : i32 {
        %mul3A_44 = arith.constant 2 : i32
        %mul3A_45 = arith.muli %mul3A_44, %scan3A_43 : i32
        %add3A_46 = arith.constant 1 : i32
        %add3A_47 = arith.addi %mul3A_45, %add3A_46 : i32
        %lt3A_48 = arith.constant 64 : i32
        %lt3A_49 = arith.cmpi slt, %add3A_47, %lt3A_48 : i32
        %convert_element_type3A_50 = arith.extui %lt3A_49 : i1 to i32
        %cond3A_51 = arith.constant 0 : i32
        %cond3A_52 = arith.cmpi ne, %convert_element_type3A_50, %cond3A_51 : i32
        scf.if %cond3A_52 {
          %add3A_137 = arith.constant 1 : i32
          %add3A_138 = arith.addi %mul3A_45, %add3A_137 : i32
          %dma_start3A_139 = arith.constant 0 : i32
          %dma_start3A_140 = arith.constant 0 : i32
          %dma_start3A_141 = tpu.memref_slice %arg2[%add3A_138, %add3A, %dma_start3A_139, %dma_start3A_140] : memref<64x28x28x384xf32, #tpu.memory_space<hbm>> -> memref<1x1x28x384xf32, #tpu.memory_space<hbm>>
          %dma_start3A_142 = tpu.memref_squeeze %dma_start3A_141 : memref<1x1x28x384xf32, #tpu.memory_space<hbm>> -> memref<28x384xf32, #tpu.memory_space<hbm>>
          %dma_start3A_143 = arith.constant 0 : i32
          %dma_start3A_144 = arith.constant 0 : i32
          %dma_start3A_145 = tpu.memref_slice %arg2[%add3A_138, %add3A, %dma_start3A_143, %dma_start3A_144] : memref<64x28x28x384xf32, #tpu.memory_space<hbm>> -> memref<1x1x28x384xf32, #tpu.memory_space<hbm>>
          %dma_start3A_146 = tpu.memref_squeeze %dma_start3A_145 : memref<1x1x28x384xf32, #tpu.memory_space<hbm>> -> memref<28x384xf32, #tpu.memory_space<hbm>>
          tpu.enqueue_dma source(%dma_start3A_146 : memref<28x384xf32, #tpu.memory_space<hbm>>) target(%arg11 : memref<28x384xf32, #tpu.memory_space<vmem>>) target_semaphore(%arg18 : memref<!tpu.dma_semaphore, #tpu.memory_space<semaphore_mem>>)
          %get3A_147 = arith.index_cast %add3A_138 : i32 to index
          %get3A_148 = tpu.vector_load %arg15[%get3A_147] {strides = array<i32>} : memref<80xi32, #tpu.memory_space<vmem>>, vector<16xi32>,
          %get3A_149 = vector.shape_cast %get3A_148 : vector<16xi32> to vector<16xi32>
          %slice3A_150 = vector.extract_strided_slice %get3A_149 {offsets = [0], sizes = [1], strides = [1]} : vector<16xi32> to vector<1xi32>
          %squeeze3A_151 = vector.extract %slice3A_150[0] : i32 from vector<1xi32>
          %dma_start3A_152 = arith.constant 0 : i32
          %dma_start3A_153 = arith.constant 0 : i32
          %dma_start3A_154 = tpu.memref_slice %arg2[%squeeze3A_151, %add3A, %dma_start3A_152, %dma_start3A_153] : memref<64x28x28x384xf32, #tpu.memory_space<hbm>> -> memref<1x1x28x384xf32, #tpu.memory_space<hbm>>
          %dma_start3A_155 = tpu.memref_squeeze %dma_start3A_154 : memref<1x1x28x384xf32, #tpu.memory_space<hbm>> -> memref<28x384xf32, #tpu.memory_space<hbm>>
          %dma_start3A_156 = arith.constant 0 : i32
          %dma_start3A_157 = arith.constant 0 : i32
          %dma_start3A_158 = tpu.memref_slice %arg2[%squeeze3A_151, %add3A, %dma_start3A_156, %dma_start3A_157] : memref<64x28x28x384xf32, #tpu.memory_space<hbm>> -> memref<1x1x28x384xf32, #tpu.memory_space<hbm>>
          %dma_start3A_159 = tpu.memref_squeeze %dma_start3A_158 : memref<1x1x28x384xf32, #tpu.memory_space<hbm>> -> memref<28x384xf32, #tpu.memory_space<hbm>>
          tpu.enqueue_dma source(%dma_start3A_159 : memref<28x384xf32, #tpu.memory_space<hbm>>) target(%arg12 : memref<28x384xf32, #tpu.memory_space<vmem>>) target_semaphore(%arg19 : memref<!tpu.dma_semaphore, #tpu.memory_space<semaphore_mem>>)
        } else {
        }
        %dma_wait3A_53 = arith.constant 0 : i32
        %dma_wait3A_54 = arith.constant 0 : i32
        %dma_wait3A_55 = arith.constant 0 : i32
        %dma_wait3A_56 = tpu.memref_slice %arg2[%dma_wait3A_53, %add3A, %dma_wait3A_54, %dma_wait3A_55] : memref<64x28x28x384xf32, #tpu.memory_space<hbm>> -> memref<1x1x28x384xf32, #tpu.memory_space<hbm>>
        %dma_wait3A_57 = tpu.memref_squeeze %dma_wait3A_56 : memref<1x1x28x384xf32, #tpu.memory_space<hbm>> -> memref<28x384xf32, #tpu.memory_space<hbm>>
        %dma_wait3A_58 = arith.constant 0 : i32
        %dma_wait3A_59 = arith.constant 0 : i32
        %dma_wait3A_60 = tpu.memref_slice %arg2[%dma_wait3A_53, %add3A, %dma_wait3A_58, %dma_wait3A_59] : memref<64x28x28x384xf32, #tpu.memory_space<hbm>> -> memref<1x1x28x384xf32, #tpu.memory_space<hbm>>
        %dma_wait3A_61 = tpu.memref_squeeze %dma_wait3A_60 : memref<1x1x28x384xf32, #tpu.memory_space<hbm>> -> memref<28x384xf32, #tpu.memory_space<hbm>>
        tpu.wait_dma2 semaphore(%arg16 : memref<!tpu.dma_semaphore, #tpu.memory_space<semaphore_mem>>) src(%dma_wait3A_61 : memref<28x384xf32, #tpu.memory_space<hbm>>) dst(%arg9 : memref<28x384xf32, #tpu.memory_space<vmem>>)
        %dma_wait3A_62 = arith.constant 0 : i32
        %dma_wait3A_63 = arith.constant 0 : i32
        %dma_wait3A_64 = arith.constant 0 : i32
        %dma_wait3A_65 = tpu.memref_slice %arg2[%dma_wait3A_62, %add3A, %dma_wait3A_63, %dma_wait3A_64] : memref<64x28x28x384xf32, #tpu.memory_space<hbm>> -> memref<1x1x28x384xf32, #tpu.memory_space<hbm>>
        %dma_wait3A_66 = tpu.memref_squeeze %dma_wait3A_65 : memref<1x1x28x384xf32, #tpu.memory_space<hbm>> -> memref<28x384xf32, #tpu.memory_space<hbm>>
        %dma_wait3A_67 = arith.constant 0 : i32
        %dma_wait3A_68 = arith.constant 0 : i32
        %dma_wait3A_69 = tpu.memref_slice %arg2[%dma_wait3A_62, %add3A, %dma_wait3A_67, %dma_wait3A_68] : memref<64x28x28x384xf32, #tpu.memory_space<hbm>> -> memref<1x1x28x384xf32, #tpu.memory_space<hbm>>
        %dma_wait3A_70 = tpu.memref_squeeze %dma_wait3A_69 : memref<1x1x28x384xf32, #tpu.memory_space<hbm>> -> memref<28x384xf32, #tpu.memory_space<hbm>>
        tpu.wait_dma2 semaphore(%arg17 : memref<!tpu.dma_semaphore, #tpu.memory_space<semaphore_mem>>) src(%dma_wait3A_70 : memref<28x384xf32, #tpu.memory_space<hbm>>) dst(%arg10 : memref<28x384xf32, #tpu.memory_space<vmem>>)
        %ge3A = arith.constant 2 : i32
        %ge3A_71 = arith.cmpi sge, %mul3A_45, %ge3A : i32
        %convert_element_type3A_72 = arith.extui %ge3A_71 : i1 to i32
        %cond3A_73 = arith.constant 0 : i32
        %cond3A_74 = arith.cmpi ne, %convert_element_type3A_72, %cond3A_73 : i32
        scf.if %cond3A_74 {
          %sub3A = arith.constant 2 : i32
          %sub3A_137 = arith.subi %mul3A_45, %sub3A : i32
          %max3A = arith.constant 0 : i32
          %max3A_138 = arith.maxsi %sub3A_137, %max3A : i32
          %dma_wait3A_139 = arith.constant 0 : i32
          %dma_wait3A_140 = arith.constant 0 : i32
          %dma_wait3A_141 = tpu.memref_slice %arg6[%max3A_138, %add3A, %dma_wait3A_139, %dma_wait3A_140] : memref<64x28x28x384xf32, #tpu.memory_space<hbm>> -> memref<1x1x28x384xf32, #tpu.memory_space<hbm>>
          %dma_wait3A_142 = tpu.memref_squeeze %dma_wait3A_141 : memref<1x1x28x384xf32, #tpu.memory_space<hbm>> -> memref<28x384xf32, #tpu.memory_space<hbm>>
          %dma_wait3A_143 = arith.constant 0 : i32
          %dma_wait3A_144 = arith.constant 0 : i32
          %dma_wait3A_145 = tpu.memref_slice %arg6[%max3A_138, %add3A, %dma_wait3A_143, %dma_wait3A_144] : memref<64x28x28x384xf32, #tpu.memory_space<hbm>> -> memref<1x1x28x384xf32, #tpu.memory_space<hbm>>
          %dma_wait3A_146 = tpu.memref_squeeze %dma_wait3A_145 : memref<1x1x28x384xf32, #tpu.memory_space<hbm>> -> memref<28x384xf32, #tpu.memory_space<hbm>>
          tpu.wait_dma2 semaphore(%arg20 : memref<!tpu.dma_semaphore, #tpu.memory_space<semaphore_mem>>) src(%arg13 : memref<28x384xf32, #tpu.memory_space<vmem>>) dst(%dma_wait3A_146 : memref<28x384xf32, #tpu.memory_space<hbm>>)
        } else {
        }
        %scan3A_75 = arith.constant 0 : i32
        %scan3A_76 = arith.constant 0 : i32
        %scan3A_77 = arith.constant 28 : i32
        %scan3A_78 = arith.addi %scan3A_76, %scan3A_77 : i32
        %scan3A_79 = arith.constant 1 : i32
        scf.for %scan3A_137 = %scan3A_76 to %scan3A_78 step %scan3A_79  : i32 {
          %scan3A_138 = arith.constant 0 : i32
          %scan3A_139 = arith.constant 0 : i32
          %scan3A_140 = arith.constant 3 : i32
          %scan3A_141 = arith.addi %scan3A_139, %scan3A_140 : i32
          %scan3A_142 = arith.constant 1 : i32
          scf.for %scan3A_144 = %scan3A_139 to %scan3A_141 step %scan3A_142  : i32 {
            %mul3A_145 = arith.constant 128 : i32
            %mul3A_146 = arith.muli %scan3A_144, %mul3A_145 : i32
            %add3A_147 = arith.constant 0 : i32
            %add3A_148 = arith.addi %mul3A_146, %add3A_147 : i32
            %get3A_149 = arith.index_cast %scan3A_137 : i32 to index
            %get3A_150 = arith.index_cast %add3A_148 : i32 to index
            %get3A_151 = tpu.vector_load %arg9[%get3A_149, %get3A_150] {strides = array<i32>} : memref<28x384xf32, #tpu.memory_space<vmem>>, vector<1x16xf32>,
            %get3A_152 = vector.shape_cast %get3A_151 : vector<1x16xf32> to vector<16xf32>
            %get3A_153 = arith.index_cast %scan3A_137 : i32 to index
            %get3A_154 = arith.index_cast %add3A_148 : i32 to index
            %get3A_155 = tpu.vector_load %arg7[%get3A_153, %get3A_154] {strides = array<i32>} : memref<28x384xf32, #tpu.memory_space<vmem>>, vector<1x16xf32>,
            %get3A_156 = vector.shape_cast %get3A_155 : vector<1x16xf32> to vector<16xf32>
            %mul3A_157 = arith.mulf %get3A_152, %get3A_156 : vector<16xf32>
            %get3A_158 = arith.index_cast %scan3A_137 : i32 to index
            %get3A_159 = arith.index_cast %add3A_148 : i32 to index
            %get3A_160 = tpu.vector_load %arg10[%get3A_158, %get3A_159] {strides = array<i32>} : memref<28x384xf32, #tpu.memory_space<vmem>>, vector<1x16xf32>,
            %get3A_161 = vector.shape_cast %get3A_160 : vector<1x16xf32> to vector<16xf32>
            %get3A_162 = arith.index_cast %scan3A_137 : i32 to index
            %get3A_163 = arith.index_cast %add3A_148 : i32 to index
            %get3A_164 = tpu.vector_load %arg8[%get3A_162, %get3A_163] {strides = array<i32>} : memref<28x384xf32, #tpu.memory_space<vmem>>, vector<1x16xf32>,
            %get3A_165 = vector.shape_cast %get3A_164 : vector<1x16xf32> to vector<16xf32>
            %mul3A_166 = arith.mulf %get3A_161, %get3A_165 : vector<16xf32>
            %add3A_167 = arith.addf %mul3A_157, %mul3A_166 : vector<16xf32>
            %swap3A = arith.index_cast %scan3A_137 : i32 to index
            %swap3A_168 = arith.index_cast %add3A_148 : i32 to index
            %swap3A_169 = tpu.vector_load %arg13[%swap3A, %swap3A_168] {strides = array<i32>} : memref<28x384xf32, #tpu.memory_space<vmem>>, vector<1x16xf32>,
            %swap3A_170 = vector.shape_cast %swap3A_169 : vector<1x16xf32> to vector<16xf32>
            %swap3A_171 = vector.shape_cast %add3A_167 : vector<16xf32> to vector<1x16xf32>
            tpu.vector_store %arg13[%swap3A, %swap3A_168], %swap3A_171 {strides = array<i32>} : memref<28x384xf32, #tpu.memory_space<vmem>>, vector<1x16xf32>,
            %add3A_172 = arith.constant 16 : i32
            %add3A_173 = arith.addi %mul3A_146, %add3A_172 : i32
            %get3A_174 = arith.index_cast %scan3A_137 : i32 to index
            %get3A_175 = arith.index_cast %add3A_173 : i32 to index
            %get3A_176 = tpu.vector_load %arg9[%get3A_174, %get3A_175] {strides = array<i32>} : memref<28x384xf32, #tpu.memory_space<vmem>>, vector<1x16xf32>,
            %get3A_177 = vector.shape_cast %get3A_176 : vector<1x16xf32> to vector<16xf32>
            %get3A_178 = arith.index_cast %scan3A_137 : i32 to index
            %get3A_179 = arith.index_cast %add3A_173 : i32 to index
            %get3A_180 = tpu.vector_load %arg7[%get3A_178, %get3A_179] {strides = array<i32>} : memref<28x384xf32, #tpu.memory_space<vmem>>, vector<1x16xf32>,
            %get3A_181 = vector.shape_cast %get3A_180 : vector<1x16xf32> to vector<16xf32>
            %mul3A_182 = arith.mulf %get3A_177, %get3A_181 : vector<16xf32>
            %get3A_183 = arith.index_cast %scan3A_137 : i32 to index
            %get3A_184 = arith.index_cast %add3A_173 : i32 to index
            %get3A_185 = tpu.vector_load %arg10[%get3A_183, %get3A_184] {strides = array<i32>} : memref<28x384xf32, #tpu.memory_space<vmem>>, vector<1x16xf32>,
            %get3A_186 = vector.shape_cast %get3A_185 : vector<1x16xf32> to vector<16xf32>
            %get3A_187 = arith.index_cast %scan3A_137 : i32 to index
            %get3A_188 = arith.index_cast %add3A_173 : i32 to index
            %get3A_189 = tpu.vector_load %arg8[%get3A_187, %get3A_188] {strides = array<i32>} : memref<28x384xf32, #tpu.memory_space<vmem>>, vector<1x16xf32>,
            %get3A_190 = vector.shape_cast %get3A_189 : vector<1x16xf32> to vector<16xf32>
            %mul3A_191 = arith.mulf %get3A_186, %get3A_190 : vector<16xf32>
            %add3A_192 = arith.addf %mul3A_182, %mul3A_191 : vector<16xf32>
            %swap3A_193 = arith.index_cast %scan3A_137 : i32 to index
            %swap3A_194 = arith.index_cast %add3A_173 : i32 to index
            %swap3A_195 = tpu.vector_load %arg13[%swap3A_193, %swap3A_194] {strides = array<i32>} : memref<28x384xf32, #tpu.memory_space<vmem>>, vector<1x16xf32>,
            %swap3A_196 = vector.shape_cast %swap3A_195 : vector<1x16xf32> to vector<16xf32>
            %swap3A_197 = vector.shape_cast %add3A_192 : vector<16xf32> to vector<1x16xf32>
            tpu.vector_store %arg13[%swap3A_193, %swap3A_194], %swap3A_197 {strides = array<i32>} : memref<28x384xf32, #tpu.memory_space<vmem>>, vector<1x16xf32>,
            %add3A_198 = arith.constant 32 : i32
            %add3A_199 = arith.addi %mul3A_146, %add3A_198 : i32
            %get3A_200 = arith.index_cast %scan3A_137 : i32 to index
            %get3A_201 = arith.index_cast %add3A_199 : i32 to index
            %get3A_202 = tpu.vector_load %arg9[%get3A_200, %get3A_201] {strides = array<i32>} : memref<28x384xf32, #tpu.memory_space<vmem>>, vector<1x16xf32>,
            %get3A_203 = vector.shape_cast %get3A_202 : vector<1x16xf32> to vector<16xf32>
            %get3A_204 = arith.index_cast %scan3A_137 : i32 to index
            %get3A_205 = arith.index_cast %add3A_199 : i32 to index
            %get3A_206 = tpu.vector_load %arg7[%get3A_204, %get3A_205] {strides = array<i32>} : memref<28x384xf32, #tpu.memory_space<vmem>>, vector<1x16xf32>,
            %get3A_207 = vector.shape_cast %get3A_206 : vector<1x16xf32> to vector<16xf32>
            %mul3A_208 = arith.mulf %get3A_203, %get3A_207 : vector<16xf32>
            %get3A_209 = arith.index_cast %scan3A_137 : i32 to index
            %get3A_210 = arith.index_cast %add3A_199 : i32 to index
            %get3A_211 = tpu.vector_load %arg10[%get3A_209, %get3A_210] {strides = array<i32>} : memref<28x384xf32, #tpu.memory_space<vmem>>, vector<1x16xf32>,
            %get3A_212 = vector.shape_cast %get3A_211 : vector<1x16xf32> to vector<16xf32>
            %get3A_213 = arith.index_cast %scan3A_137 : i32 to index
            %get3A_214 = arith.index_cast %add3A_199 : i32 to index
            %get3A_215 = tpu.vector_load %arg8[%get3A_213, %get3A_214] {strides = array<i32>} : memref<28x384xf32, #tpu.memory_space<vmem>>, vector<1x16xf32>,
            %get3A_216 = vector.shape_cast %get3A_215 : vector<1x16xf32> to vector<16xf32>
            %mul3A_217 = arith.mulf %get3A_212, %get3A_216 : vector<16xf32>
            %add3A_218 = arith.addf %mul3A_208, %mul3A_217 : vector<16xf32>
            %swap3A_219 = arith.index_cast %scan3A_137 : i32 to index
            %swap3A_220 = arith.index_cast %add3A_199 : i32 to index
            %swap3A_221 = tpu.vector_load %arg13[%swap3A_219, %swap3A_220] {strides = array<i32>} : memref<28x384xf32, #tpu.memory_space<vmem>>, vector<1x16xf32>,
            %swap3A_222 = vector.shape_cast %swap3A_221 : vector<1x16xf32> to vector<16xf32>
            %swap3A_223 = vector.shape_cast %add3A_218 : vector<16xf32> to vector<1x16xf32>
            tpu.vector_store %arg13[%swap3A_219, %swap3A_220], %swap3A_223 {strides = array<i32>} : memref<28x384xf32, #tpu.memory_space<vmem>>, vector<1x16xf32>,
            %add3A_224 = arith.constant 48 : i32
            %add3A_225 = arith.addi %mul3A_146, %add3A_224 : i32
            %get3A_226 = arith.index_cast %scan3A_137 : i32 to index
            %get3A_227 = arith.index_cast %add3A_225 : i32 to index
            %get3A_228 = tpu.vector_load %arg9[%get3A_226, %get3A_227] {strides = array<i32>} : memref<28x384xf32, #tpu.memory_space<vmem>>, vector<1x16xf32>,
            %get3A_229 = vector.shape_cast %get3A_228 : vector<1x16xf32> to vector<16xf32>
            %get3A_230 = arith.index_cast %scan3A_137 : i32 to index
            %get3A_231 = arith.index_cast %add3A_225 : i32 to index
            %get3A_232 = tpu.vector_load %arg7[%get3A_230, %get3A_231] {strides = array<i32>} : memref<28x384xf32, #tpu.memory_space<vmem>>, vector<1x16xf32>,
            %get3A_233 = vector.shape_cast %get3A_232 : vector<1x16xf32> to vector<16xf32>
            %mul3A_234 = arith.mulf %get3A_229, %get3A_233 : vector<16xf32>
            %get3A_235 = arith.index_cast %scan3A_137 : i32 to index
            %get3A_236 = arith.index_cast %add3A_225 : i32 to index
            %get3A_237 = tpu.vector_load %arg10[%get3A_235, %get3A_236] {strides = array<i32>} : memref<28x384xf32, #tpu.memory_space<vmem>>, vector<1x16xf32>,
            %get3A_238 = vector.shape_cast %get3A_237 : vector<1x16xf32> to vector<16xf32>
            %get3A_239 = arith.index_cast %scan3A_137 : i32 to index
            %get3A_240 = arith.index_cast %add3A_225 : i32 to index
            %get3A_241 = tpu.vector_load %arg8[%get3A_239, %get3A_240] {strides = array<i32>} : memref<28x384xf32, #tpu.memory_space<vmem>>, vector<1x16xf32>,
            %get3A_242 = vector.shape_cast %get3A_241 : vector<1x16xf32> to vector<16xf32>
            %mul3A_243 = arith.mulf %get3A_238, %get3A_242 : vector<16xf32>
            %add3A_244 = arith.addf %mul3A_234, %mul3A_243 : vector<16xf32>
            %swap3A_245 = arith.index_cast %scan3A_137 : i32 to index
            %swap3A_246 = arith.index_cast %add3A_225 : i32 to index
            %swap3A_247 = tpu.vector_load %arg13[%swap3A_245, %swap3A_246] {strides = array<i32>} : memref<28x384xf32, #tpu.memory_space<vmem>>, vector<1x16xf32>,
            %swap3A_248 = vector.shape_cast %swap3A_247 : vector<1x16xf32> to vector<16xf32>
            %swap3A_249 = vector.shape_cast %add3A_244 : vector<16xf32> to vector<1x16xf32>
            tpu.vector_store %arg13[%swap3A_245, %swap3A_246], %swap3A_249 {strides = array<i32>} : memref<28x384xf32, #tpu.memory_space<vmem>>, vector<1x16xf32>,
            %add3A_250 = arith.constant 64 : i32
            %add3A_251 = arith.addi %mul3A_146, %add3A_250 : i32
            %get3A_252 = arith.index_cast %scan3A_137 : i32 to index
            %get3A_253 = arith.index_cast %add3A_251 : i32 to index
            %get3A_254 = tpu.vector_load %arg9[%get3A_252, %get3A_253] {strides = array<i32>} : memref<28x384xf32, #tpu.memory_space<vmem>>, vector<1x16xf32>,
            %get3A_255 = vector.shape_cast %get3A_254 : vector<1x16xf32> to vector<16xf32>
            %get3A_256 = arith.index_cast %scan3A_137 : i32 to index
            %get3A_257 = arith.index_cast %add3A_251 : i32 to index
            %get3A_258 = tpu.vector_load %arg7[%get3A_256, %get3A_257] {strides = array<i32>} : memref<28x384xf32, #tpu.memory_space<vmem>>, vector<1x16xf32>,
            %get3A_259 = vector.shape_cast %get3A_258 : vector<1x16xf32> to vector<16xf32>
            %mul3A_260 = arith.mulf %get3A_255, %get3A_259 : vector<16xf32>
            %get3A_261 = arith.index_cast %scan3A_137 : i32 to index
            %get3A_262 = arith.index_cast %add3A_251 : i32 to index
            %get3A_263 = tpu.vector_load %arg10[%get3A_261, %get3A_262] {strides = array<i32>} : memref<28x384xf32, #tpu.memory_space<vmem>>, vector<1x16xf32>,
            %get3A_264 = vector.shape_cast %get3A_263 : vector<1x16xf32> to vector<16xf32>
            %get3A_265 = arith.index_cast %scan3A_137 : i32 to index
            %get3A_266 = arith.index_cast %add3A_251 : i32 to index
            %get3A_267 = tpu.vector_load %arg8[%get3A_265, %get3A_266] {strides = array<i32>} : memref<28x384xf32, #tpu.memory_space<vmem>>, vector<1x16xf32>,
            %get3A_268 = vector.shape_cast %get3A_267 : vector<1x16xf32> to vector<16xf32>
            %mul3A_269 = arith.mulf %get3A_264, %get3A_268 : vector<16xf32>
            %add3A_270 = arith.addf %mul3A_260, %mul3A_269 : vector<16xf32>
            %swap3A_271 = arith.index_cast %scan3A_137 : i32 to index
            %swap3A_272 = arith.index_cast %add3A_251 : i32 to index
            %swap3A_273 = tpu.vector_load %arg13[%swap3A_271, %swap3A_272] {strides = array<i32>} : memref<28x384xf32, #tpu.memory_space<vmem>>, vector<1x16xf32>,
            %swap3A_274 = vector.shape_cast %swap3A_273 : vector<1x16xf32> to vector<16xf32>
            %swap3A_275 = vector.shape_cast %add3A_270 : vector<16xf32> to vector<1x16xf32>
            tpu.vector_store %arg13[%swap3A_271, %swap3A_272], %swap3A_275 {strides = array<i32>} : memref<28x384xf32, #tpu.memory_space<vmem>>, vector<1x16xf32>,
            %add3A_276 = arith.constant 80 : i32
            %add3A_277 = arith.addi %mul3A_146, %add3A_276 : i32
            %get3A_278 = arith.index_cast %scan3A_137 : i32 to index
            %get3A_279 = arith.index_cast %add3A_277 : i32 to index
            %get3A_280 = tpu.vector_load %arg9[%get3A_278, %get3A_279] {strides = array<i32>} : memref<28x384xf32, #tpu.memory_space<vmem>>, vector<1x16xf32>,
            %get3A_281 = vector.shape_cast %get3A_280 : vector<1x16xf32> to vector<16xf32>
            %get3A_282 = arith.index_cast %scan3A_137 : i32 to index
            %get3A_283 = arith.index_cast %add3A_277 : i32 to index
            %get3A_284 = tpu.vector_load %arg7[%get3A_282, %get3A_283] {strides = array<i32>} : memref<28x384xf32, #tpu.memory_space<vmem>>, vector<1x16xf32>,
            %get3A_285 = vector.shape_cast %get3A_284 : vector<1x16xf32> to vector<16xf32>
            %mul3A_286 = arith.mulf %get3A_281, %get3A_285 : vector<16xf32>
            %get3A_287 = arith.index_cast %scan3A_137 : i32 to index
            %get3A_288 = arith.index_cast %add3A_277 : i32 to index
            %get3A_289 = tpu.vector_load %arg10[%get3A_287, %get3A_288] {strides = array<i32>} : memref<28x384xf32, #tpu.memory_space<vmem>>, vector<1x16xf32>,
            %get3A_290 = vector.shape_cast %get3A_289 : vector<1x16xf32> to vector<16xf32>
            %get3A_291 = arith.index_cast %scan3A_137 : i32 to index
            %get3A_292 = arith.index_cast %add3A_277 : i32 to index
            %get3A_293 = tpu.vector_load %arg8[%get3A_291, %get3A_292] {strides = array<i32>} : memref<28x384xf32, #tpu.memory_space<vmem>>, vector<1x16xf32>,
            %get3A_294 = vector.shape_cast %get3A_293 : vector<1x16xf32> to vector<16xf32>
            %mul3A_295 = arith.mulf %get3A_290, %get3A_294 : vector<16xf32>
            %add3A_296 = arith.addf %mul3A_286, %mul3A_295 : vector<16xf32>
            %swap3A_297 = arith.index_cast %scan3A_137 : i32 to index
            %swap3A_298 = arith.index_cast %add3A_277 : i32 to index
            %swap3A_299 = tpu.vector_load %arg13[%swap3A_297, %swap3A_298] {strides = array<i32>} : memref<28x384xf32, #tpu.memory_space<vmem>>, vector<1x16xf32>,
            %swap3A_300 = vector.shape_cast %swap3A_299 : vector<1x16xf32> to vector<16xf32>
            %swap3A_301 = vector.shape_cast %add3A_296 : vector<16xf32> to vector<1x16xf32>
            tpu.vector_store %arg13[%swap3A_297, %swap3A_298], %swap3A_301 {strides = array<i32>} : memref<28x384xf32, #tpu.memory_space<vmem>>, vector<1x16xf32>,
            %add3A_302 = arith.constant 96 : i32
            %add3A_303 = arith.addi %mul3A_146, %add3A_302 : i32
            %get3A_304 = arith.index_cast %scan3A_137 : i32 to index
            %get3A_305 = arith.index_cast %add3A_303 : i32 to index
            %get3A_306 = tpu.vector_load %arg9[%get3A_304, %get3A_305] {strides = array<i32>} : memref<28x384xf32, #tpu.memory_space<vmem>>, vector<1x16xf32>,
            %get3A_307 = vector.shape_cast %get3A_306 : vector<1x16xf32> to vector<16xf32>
            %get3A_308 = arith.index_cast %scan3A_137 : i32 to index
            %get3A_309 = arith.index_cast %add3A_303 : i32 to index
            %get3A_310 = tpu.vector_load %arg7[%get3A_308, %get3A_309] {strides = array<i32>} : memref<28x384xf32, #tpu.memory_space<vmem>>, vector<1x16xf32>,
            %get3A_311 = vector.shape_cast %get3A_310 : vector<1x16xf32> to vector<16xf32>
            %mul3A_312 = arith.mulf %get3A_307, %get3A_311 : vector<16xf32>
            %get3A_313 = arith.index_cast %scan3A_137 : i32 to index
            %get3A_314 = arith.index_cast %add3A_303 : i32 to index
            %get3A_315 = tpu.vector_load %arg10[%get3A_313, %get3A_314] {strides = array<i32>} : memref<28x384xf32, #tpu.memory_space<vmem>>, vector<1x16xf32>,
            %get3A_316 = vector.shape_cast %get3A_315 : vector<1x16xf32> to vector<16xf32>
            %get3A_317 = arith.index_cast %scan3A_137 : i32 to index
            %get3A_318 = arith.index_cast %add3A_303 : i32 to index
            %get3A_319 = tpu.vector_load %arg8[%get3A_317, %get3A_318] {strides = array<i32>} : memref<28x384xf32, #tpu.memory_space<vmem>>, vector<1x16xf32>,
            %get3A_320 = vector.shape_cast %get3A_319 : vector<1x16xf32> to vector<16xf32>
            %mul3A_321 = arith.mulf %get3A_316, %get3A_320 : vector<16xf32>
            %add3A_322 = arith.addf %mul3A_312, %mul3A_321 : vector<16xf32>
            %swap3A_323 = arith.index_cast %scan3A_137 : i32 to index
            %swap3A_324 = arith.index_cast %add3A_303 : i32 to index
            %swap3A_325 = tpu.vector_load %arg13[%swap3A_323, %swap3A_324] {strides = array<i32>} : memref<28x384xf32, #tpu.memory_space<vmem>>, vector<1x16xf32>,
            %swap3A_326 = vector.shape_cast %swap3A_325 : vector<1x16xf32> to vector<16xf32>
            %swap3A_327 = vector.shape_cast %add3A_322 : vector<16xf32> to vector<1x16xf32>
            tpu.vector_store %arg13[%swap3A_323, %swap3A_324], %swap3A_327 {strides = array<i32>} : memref<28x384xf32, #tpu.memory_space<vmem>>, vector<1x16xf32>,
            %add3A_328 = arith.constant 112 : i32
            %add3A_329 = arith.addi %mul3A_146, %add3A_328 : i32
            %get3A_330 = arith.index_cast %scan3A_137 : i32 to index
            %get3A_331 = arith.index_cast %add3A_329 : i32 to index
            %get3A_332 = tpu.vector_load %arg9[%get3A_330, %get3A_331] {strides = array<i32>} : memref<28x384xf32, #tpu.memory_space<vmem>>, vector<1x16xf32>,
            %get3A_333 = vector.shape_cast %get3A_332 : vector<1x16xf32> to vector<16xf32>
            %get3A_334 = arith.index_cast %scan3A_137 : i32 to index
            %get3A_335 = arith.index_cast %add3A_329 : i32 to index
            %get3A_336 = tpu.vector_load %arg7[%get3A_334, %get3A_335] {strides = array<i32>} : memref<28x384xf32, #tpu.memory_space<vmem>>, vector<1x16xf32>,
            %get3A_337 = vector.shape_cast %get3A_336 : vector<1x16xf32> to vector<16xf32>
            %mul3A_338 = arith.mulf %get3A_333, %get3A_337 : vector<16xf32>
            %get3A_339 = arith.index_cast %scan3A_137 : i32 to index
            %get3A_340 = arith.index_cast %add3A_329 : i32 to index
            %get3A_341 = tpu.vector_load %arg10[%get3A_339, %get3A_340] {strides = array<i32>} : memref<28x384xf32, #tpu.memory_space<vmem>>, vector<1x16xf32>,
            %get3A_342 = vector.shape_cast %get3A_341 : vector<1x16xf32> to vector<16xf32>
            %get3A_343 = arith.index_cast %scan3A_137 : i32 to index
            %get3A_344 = arith.index_cast %add3A_329 : i32 to index
            %get3A_345 = tpu.vector_load %arg8[%get3A_343, %get3A_344] {strides = array<i32>} : memref<28x384xf32, #tpu.memory_space<vmem>>, vector<1x16xf32>,
            %get3A_346 = vector.shape_cast %get3A_345 : vector<1x16xf32> to vector<16xf32>
            %mul3A_347 = arith.mulf %get3A_342, %get3A_346 : vector<16xf32>
            %add3A_348 = arith.addf %mul3A_338, %mul3A_347 : vector<16xf32>
            %swap3A_349 = arith.index_cast %scan3A_137 : i32 to index
            %swap3A_350 = arith.index_cast %add3A_329 : i32 to index
            %swap3A_351 = tpu.vector_load %arg13[%swap3A_349, %swap3A_350] {strides = array<i32>} : memref<28x384xf32, #tpu.memory_space<vmem>>, vector<1x16xf32>,
            %swap3A_352 = vector.shape_cast %swap3A_351 : vector<1x16xf32> to vector<16xf32>
            %swap3A_353 = vector.shape_cast %add3A_348 : vector<16xf32> to vector<1x16xf32>
            tpu.vector_store %arg13[%swap3A_349, %swap3A_350], %swap3A_353 {strides = array<i32>} : memref<28x384xf32, #tpu.memory_space<vmem>>, vector<1x16xf32>,
          }
          %scan3A_143 = arith.constant 3 : i32
        }
        %scan3A_80 = arith.constant 28 : i32
        %dma_start3A_81 = arith.constant 0 : i32
        %dma_start3A_82 = arith.constant 0 : i32
        %dma_start3A_83 = tpu.memref_slice %arg6[%mul3A_45, %add3A, %dma_start3A_81, %dma_start3A_82] : memref<64x28x28x384xf32, #tpu.memory_space<hbm>> -> memref<1x1x28x384xf32, #tpu.memory_space<hbm>>
        %dma_start3A_84 = tpu.memref_squeeze %dma_start3A_83 : memref<1x1x28x384xf32, #tpu.memory_space<hbm>> -> memref<28x384xf32, #tpu.memory_space<hbm>>
        %dma_start3A_85 = arith.constant 0 : i32
        %dma_start3A_86 = arith.constant 0 : i32
        %dma_start3A_87 = tpu.memref_slice %arg6[%mul3A_45, %add3A, %dma_start3A_85, %dma_start3A_86] : memref<64x28x28x384xf32, #tpu.memory_space<hbm>> -> memref<1x1x28x384xf32, #tpu.memory_space<hbm>>
        %dma_start3A_88 = tpu.memref_squeeze %dma_start3A_87 : memref<1x1x28x384xf32, #tpu.memory_space<hbm>> -> memref<28x384xf32, #tpu.memory_space<hbm>>
        tpu.enqueue_dma source(%arg13 : memref<28x384xf32, #tpu.memory_space<vmem>>) target(%dma_start3A_88 : memref<28x384xf32, #tpu.memory_space<hbm>>) target_semaphore(%arg20 : memref<!tpu.dma_semaphore, #tpu.memory_space<semaphore_mem>>)
        %mul3A_89 = arith.constant 2 : i32
        %mul3A_90 = arith.muli %mul3A_89, %scan3A_43 : i32
        %add3A_91 = arith.constant 1 : i32
        %add3A_92 = arith.addi %mul3A_90, %add3A_91 : i32
        %add3A_93 = arith.constant 1 : i32
        %add3A_94 = arith.addi %add3A_92, %add3A_93 : i32
        %lt3A_95 = arith.constant 64 : i32
        %lt3A_96 = arith.cmpi slt, %add3A_94, %lt3A_95 : i32
        %convert_element_type3A_97 = arith.extui %lt3A_96 : i1 to i32
        %cond3A_98 = arith.constant 0 : i32
        %cond3A_99 = arith.cmpi ne, %convert_element_type3A_97, %cond3A_98 : i32
        scf.if %cond3A_99 {
          %add3A_137 = arith.constant 1 : i32
          %add3A_138 = arith.addi %add3A_92, %add3A_137 : i32
          %dma_start3A_139 = arith.constant 0 : i32
          %dma_start3A_140 = arith.constant 0 : i32
          %dma_start3A_141 = tpu.memref_slice %arg2[%add3A_138, %add3A, %dma_start3A_139, %dma_start3A_140] : memref<64x28x28x384xf32, #tpu.memory_space<hbm>> -> memref<1x1x28x384xf32, #tpu.memory_space<hbm>>
          %dma_start3A_142 = tpu.memref_squeeze %dma_start3A_141 : memref<1x1x28x384xf32, #tpu.memory_space<hbm>> -> memref<28x384xf32, #tpu.memory_space<hbm>>
          %dma_start3A_143 = arith.constant 0 : i32
          %dma_start3A_144 = arith.constant 0 : i32
          %dma_start3A_145 = tpu.memref_slice %arg2[%add3A_138, %add3A, %dma_start3A_143, %dma_start3A_144] : memref<64x28x28x384xf32, #tpu.memory_space<hbm>> -> memref<1x1x28x384xf32, #tpu.memory_space<hbm>>
          %dma_start3A_146 = tpu.memref_squeeze %dma_start3A_145 : memref<1x1x28x384xf32, #tpu.memory_space<hbm>> -> memref<28x384xf32, #tpu.memory_space<hbm>>
          tpu.enqueue_dma source(%dma_start3A_146 : memref<28x384xf32, #tpu.memory_space<hbm>>) target(%arg9 : memref<28x384xf32, #tpu.memory_space<vmem>>) target_semaphore(%arg16 : memref<!tpu.dma_semaphore, #tpu.memory_space<semaphore_mem>>)
          %get3A_147 = arith.index_cast %add3A_138 : i32 to index
          %get3A_148 = tpu.vector_load %arg15[%get3A_147] {strides = array<i32>} : memref<80xi32, #tpu.memory_space<vmem>>, vector<16xi32>,
          %get3A_149 = vector.shape_cast %get3A_148 : vector<16xi32> to vector<16xi32>
          %slice3A_150 = vector.extract_strided_slice %get3A_149 {offsets = [0], sizes = [1], strides = [1]} : vector<16xi32> to vector<1xi32>
          %squeeze3A_151 = vector.extract %slice3A_150[0] : i32 from vector<1xi32>
          %dma_start3A_152 = arith.constant 0 : i32
          %dma_start3A_153 = arith.constant 0 : i32
          %dma_start3A_154 = tpu.memref_slice %arg2[%squeeze3A_151, %add3A, %dma_start3A_152, %dma_start3A_153] : memref<64x28x28x384xf32, #tpu.memory_space<hbm>> -> memref<1x1x28x384xf32, #tpu.memory_space<hbm>>
          %dma_start3A_155 = tpu.memref_squeeze %dma_start3A_154 : memref<1x1x28x384xf32, #tpu.memory_space<hbm>> -> memref<28x384xf32, #tpu.memory_space<hbm>>
          %dma_start3A_156 = arith.constant 0 : i32
          %dma_start3A_157 = arith.constant 0 : i32
          %dma_start3A_158 = tpu.memref_slice %arg2[%squeeze3A_151, %add3A, %dma_start3A_156, %dma_start3A_157] : memref<64x28x28x384xf32, #tpu.memory_space<hbm>> -> memref<1x1x28x384xf32, #tpu.memory_space<hbm>>
          %dma_start3A_159 = tpu.memref_squeeze %dma_start3A_158 : memref<1x1x28x384xf32, #tpu.memory_space<hbm>> -> memref<28x384xf32, #tpu.memory_space<hbm>>
          tpu.enqueue_dma source(%dma_start3A_159 : memref<28x384xf32, #tpu.memory_space<hbm>>) target(%arg10 : memref<28x384xf32, #tpu.memory_space<vmem>>) target_semaphore(%arg17 : memref<!tpu.dma_semaphore, #tpu.memory_space<semaphore_mem>>)
        } else {
        }
        %dma_wait3A_100 = arith.constant 0 : i32
        %dma_wait3A_101 = arith.constant 0 : i32
        %dma_wait3A_102 = arith.constant 0 : i32
        %dma_wait3A_103 = tpu.memref_slice %arg2[%dma_wait3A_100, %add3A, %dma_wait3A_101, %dma_wait3A_102] : memref<64x28x28x384xf32, #tpu.memory_space<hbm>> -> memref<1x1x28x384xf32, #tpu.memory_space<hbm>>
        %dma_wait3A_104 = tpu.memref_squeeze %dma_wait3A_103 : memref<1x1x28x384xf32, #tpu.memory_space<hbm>> -> memref<28x384xf32, #tpu.memory_space<hbm>>
        %dma_wait3A_105 = arith.constant 0 : i32
        %dma_wait3A_106 = arith.constant 0 : i32
        %dma_wait3A_107 = tpu.memref_slice %arg2[%dma_wait3A_100, %add3A, %dma_wait3A_105, %dma_wait3A_106] : memref<64x28x28x384xf32, #tpu.memory_space<hbm>> -> memref<1x1x28x384xf32, #tpu.memory_space<hbm>>
        %dma_wait3A_108 = tpu.memref_squeeze %dma_wait3A_107 : memref<1x1x28x384xf32, #tpu.memory_space<hbm>> -> memref<28x384xf32, #tpu.memory_space<hbm>>
        tpu.wait_dma2 semaphore(%arg18 : memref<!tpu.dma_semaphore, #tpu.memory_space<semaphore_mem>>) src(%dma_wait3A_108 : memref<28x384xf32, #tpu.memory_space<hbm>>) dst(%arg11 : memref<28x384xf32, #tpu.memory_space<vmem>>)
        %dma_wait3A_109 = arith.constant 0 : i32
        %dma_wait3A_110 = arith.constant 0 : i32
        %dma_wait3A_111 = arith.constant 0 : i32
        %dma_wait3A_112 = tpu.memref_slice %arg2[%dma_wait3A_109, %add3A, %dma_wait3A_110, %dma_wait3A_111] : memref<64x28x28x384xf32, #tpu.memory_space<hbm>> -> memref<1x1x28x384xf32, #tpu.memory_space<hbm>>
        %dma_wait3A_113 = tpu.memref_squeeze %dma_wait3A_112 : memref<1x1x28x384xf32, #tpu.memory_space<hbm>> -> memref<28x384xf32, #tpu.memory_space<hbm>>
        %dma_wait3A_114 = arith.constant 0 : i32
        %dma_wait3A_115 = arith.constant 0 : i32
        %dma_wait3A_116 = tpu.memref_slice %arg2[%dma_wait3A_109, %add3A, %dma_wait3A_114, %dma_wait3A_115] : memref<64x28x28x384xf32, #tpu.memory_space<hbm>> -> memref<1x1x28x384xf32, #tpu.memory_space<hbm>>
        %dma_wait3A_117 = tpu.memref_squeeze %dma_wait3A_116 : memref<1x1x28x384xf32, #tpu.memory_space<hbm>> -> memref<28x384xf32, #tpu.memory_space<hbm>>
        tpu.wait_dma2 semaphore(%arg19 : memref<!tpu.dma_semaphore, #tpu.memory_space<semaphore_mem>>) src(%dma_wait3A_117 : memref<28x384xf32, #tpu.memory_space<hbm>>) dst(%arg12 : memref<28x384xf32, #tpu.memory_space<vmem>>)
        %ge3A_118 = arith.constant 2 : i32
        %ge3A_119 = arith.cmpi sge, %add3A_92, %ge3A_118 : i32
        %convert_element_type3A_120 = arith.extui %ge3A_119 : i1 to i32
        %cond3A_121 = arith.constant 0 : i32
        %cond3A_122 = arith.cmpi ne, %convert_element_type3A_120, %cond3A_121 : i32
        scf.if %cond3A_122 {
          %sub3A = arith.constant 2 : i32
          %sub3A_137 = arith.subi %add3A_92, %sub3A : i32
          %max3A = arith.constant 0 : i32
          %max3A_138 = arith.maxsi %sub3A_137, %max3A : i32
          %dma_wait3A_139 = arith.constant 0 : i32
          %dma_wait3A_140 = arith.constant 0 : i32
          %dma_wait3A_141 = tpu.memref_slice %arg6[%max3A_138, %add3A, %dma_wait3A_139, %dma_wait3A_140] : memref<64x28x28x384xf32, #tpu.memory_space<hbm>> -> memref<1x1x28x384xf32, #tpu.memory_space<hbm>>
          %dma_wait3A_142 = tpu.memref_squeeze %dma_wait3A_141 : memref<1x1x28x384xf32, #tpu.memory_space<hbm>> -> memref<28x384xf32, #tpu.memory_space<hbm>>
          %dma_wait3A_143 = arith.constant 0 : i32
          %dma_wait3A_144 = arith.constant 0 : i32
          %dma_wait3A_145 = tpu.memref_slice %arg6[%max3A_138, %add3A, %dma_wait3A_143, %dma_wait3A_144] : memref<64x28x28x384xf32, #tpu.memory_space<hbm>> -> memref<1x1x28x384xf32, #tpu.memory_space<hbm>>
          %dma_wait3A_146 = tpu.memref_squeeze %dma_wait3A_145 : memref<1x1x28x384xf32, #tpu.memory_space<hbm>> -> memref<28x384xf32, #tpu.memory_space<hbm>>
          tpu.wait_dma2 semaphore(%arg21 : memref<!tpu.dma_semaphore, #tpu.memory_space<semaphore_mem>>) src(%arg14 : memref<28x384xf32, #tpu.memory_space<vmem>>) dst(%dma_wait3A_146 : memref<28x384xf32, #tpu.memory_space<hbm>>)
        } else {
        }
        %scan3A_123 = arith.constant 0 : i32
        %scan3A_124 = arith.constant 0 : i32
        %scan3A_125 = arith.constant 28 : i32
        %scan3A_126 = arith.addi %scan3A_124, %scan3A_125 : i32
        %scan3A_127 = arith.constant 1 : i32
        scf.for %scan3A_137 = %scan3A_124 to %scan3A_126 step %scan3A_127  : i32 {
          %scan3A_138 = arith.constant 0 : i32
          %scan3A_139 = arith.constant 0 : i32
          %scan3A_140 = arith.constant 3 : i32
          %scan3A_141 = arith.addi %scan3A_139, %scan3A_140 : i32
          %scan3A_142 = arith.constant 1 : i32
          scf.for %scan3A_144 = %scan3A_139 to %scan3A_141 step %scan3A_142  : i32 {
            %mul3A_145 = arith.constant 128 : i32
            %mul3A_146 = arith.muli %scan3A_144, %mul3A_145 : i32
            %add3A_147 = arith.constant 0 : i32
            %add3A_148 = arith.addi %mul3A_146, %add3A_147 : i32
            %get3A_149 = arith.index_cast %scan3A_137 : i32 to index
            %get3A_150 = arith.index_cast %add3A_148 : i32 to index
            %get3A_151 = tpu.vector_load %arg11[%get3A_149, %get3A_150] {strides = array<i32>} : memref<28x384xf32, #tpu.memory_space<vmem>>, vector<1x16xf32>,
            %get3A_152 = vector.shape_cast %get3A_151 : vector<1x16xf32> to vector<16xf32>
            %get3A_153 = arith.index_cast %scan3A_137 : i32 to index
            %get3A_154 = arith.index_cast %add3A_148 : i32 to index
            %get3A_155 = tpu.vector_load %arg7[%get3A_153, %get3A_154] {strides = array<i32>} : memref<28x384xf32, #tpu.memory_space<vmem>>, vector<1x16xf32>,
            %get3A_156 = vector.shape_cast %get3A_155 : vector<1x16xf32> to vector<16xf32>
            %mul3A_157 = arith.mulf %get3A_152, %get3A_156 : vector<16xf32>
            %get3A_158 = arith.index_cast %scan3A_137 : i32 to index
            %get3A_159 = arith.index_cast %add3A_148 : i32 to index
            %get3A_160 = tpu.vector_load %arg12[%get3A_158, %get3A_159] {strides = array<i32>} : memref<28x384xf32, #tpu.memory_space<vmem>>, vector<1x16xf32>,
            %get3A_161 = vector.shape_cast %get3A_160 : vector<1x16xf32> to vector<16xf32>
            %get3A_162 = arith.index_cast %scan3A_137 : i32 to index
            %get3A_163 = arith.index_cast %add3A_148 : i32 to index
            %get3A_164 = tpu.vector_load %arg8[%get3A_162, %get3A_163] {strides = array<i32>} : memref<28x384xf32, #tpu.memory_space<vmem>>, vector<1x16xf32>,
            %get3A_165 = vector.shape_cast %get3A_164 : vector<1x16xf32> to vector<16xf32>
            %mul3A_166 = arith.mulf %get3A_161, %get3A_165 : vector<16xf32>
            %add3A_167 = arith.addf %mul3A_157, %mul3A_166 : vector<16xf32>
            %swap3A = arith.index_cast %scan3A_137 : i32 to index
            %swap3A_168 = arith.index_cast %add3A_148 : i32 to index
            %swap3A_169 = tpu.vector_load %arg14[%swap3A, %swap3A_168] {strides = array<i32>} : memref<28x384xf32, #tpu.memory_space<vmem>>, vector<1x16xf32>,
            %swap3A_170 = vector.shape_cast %swap3A_169 : vector<1x16xf32> to vector<16xf32>
            %swap3A_171 = vector.shape_cast %add3A_167 : vector<16xf32> to vector<1x16xf32>
            tpu.vector_store %arg14[%swap3A, %swap3A_168], %swap3A_171 {strides = array<i32>} : memref<28x384xf32, #tpu.memory_space<vmem>>, vector<1x16xf32>,
            %add3A_172 = arith.constant 16 : i32
            %add3A_173 = arith.addi %mul3A_146, %add3A_172 : i32
            %get3A_174 = arith.index_cast %scan3A_137 : i32 to index
            %get3A_175 = arith.index_cast %add3A_173 : i32 to index
            %get3A_176 = tpu.vector_load %arg11[%get3A_174, %get3A_175] {strides = array<i32>} : memref<28x384xf32, #tpu.memory_space<vmem>>, vector<1x16xf32>,
            %get3A_177 = vector.shape_cast %get3A_176 : vector<1x16xf32> to vector<16xf32>
            %get3A_178 = arith.index_cast %scan3A_137 : i32 to index
            %get3A_179 = arith.index_cast %add3A_173 : i32 to index
            %get3A_180 = tpu.vector_load %arg7[%get3A_178, %get3A_179] {strides = array<i32>} : memref<28x384xf32, #tpu.memory_space<vmem>>, vector<1x16xf32>,
            %get3A_181 = vector.shape_cast %get3A_180 : vector<1x16xf32> to vector<16xf32>
            %mul3A_182 = arith.mulf %get3A_177, %get3A_181 : vector<16xf32>
            %get3A_183 = arith.index_cast %scan3A_137 : i32 to index
            %get3A_184 = arith.index_cast %add3A_173 : i32 to index
            %get3A_185 = tpu.vector_load %arg12[%get3A_183, %get3A_184] {strides = array<i32>} : memref<28x384xf32, #tpu.memory_space<vmem>>, vector<1x16xf32>,
            %get3A_186 = vector.shape_cast %get3A_185 : vector<1x16xf32> to vector<16xf32>
            %get3A_187 = arith.index_cast %scan3A_137 : i32 to index
            %get3A_188 = arith.index_cast %add3A_173 : i32 to index
            %get3A_189 = tpu.vector_load %arg8[%get3A_187, %get3A_188] {strides = array<i32>} : memref<28x384xf32, #tpu.memory_space<vmem>>, vector<1x16xf32>,
            %get3A_190 = vector.shape_cast %get3A_189 : vector<1x16xf32> to vector<16xf32>
            %mul3A_191 = arith.mulf %get3A_186, %get3A_190 : vector<16xf32>
            %add3A_192 = arith.addf %mul3A_182, %mul3A_191 : vector<16xf32>
            %swap3A_193 = arith.index_cast %scan3A_137 : i32 to index
            %swap3A_194 = arith.index_cast %add3A_173 : i32 to index
            %swap3A_195 = tpu.vector_load %arg14[%swap3A_193, %swap3A_194] {strides = array<i32>} : memref<28x384xf32, #tpu.memory_space<vmem>>, vector<1x16xf32>,
            %swap3A_196 = vector.shape_cast %swap3A_195 : vector<1x16xf32> to vector<16xf32>
            %swap3A_197 = vector.shape_cast %add3A_192 : vector<16xf32> to vector<1x16xf32>
            tpu.vector_store %arg14[%swap3A_193, %swap3A_194], %swap3A_197 {strides = array<i32>} : memref<28x384xf32, #tpu.memory_space<vmem>>, vector<1x16xf32>,
            %add3A_198 = arith.constant 32 : i32
            %add3A_199 = arith.addi %mul3A_146, %add3A_198 : i32
            %get3A_200 = arith.index_cast %scan3A_137 : i32 to index
            %get3A_201 = arith.index_cast %add3A_199 : i32 to index
            %get3A_202 = tpu.vector_load %arg11[%get3A_200, %get3A_201] {strides = array<i32>} : memref<28x384xf32, #tpu.memory_space<vmem>>, vector<1x16xf32>,
            %get3A_203 = vector.shape_cast %get3A_202 : vector<1x16xf32> to vector<16xf32>
            %get3A_204 = arith.index_cast %scan3A_137 : i32 to index
            %get3A_205 = arith.index_cast %add3A_199 : i32 to index
            %get3A_206 = tpu.vector_load %arg7[%get3A_204, %get3A_205] {strides = array<i32>} : memref<28x384xf32, #tpu.memory_space<vmem>>, vector<1x16xf32>,
            %get3A_207 = vector.shape_cast %get3A_206 : vector<1x16xf32> to vector<16xf32>
            %mul3A_208 = arith.mulf %get3A_203, %get3A_207 : vector<16xf32>
            %get3A_209 = arith.index_cast %scan3A_137 : i32 to index
            %get3A_210 = arith.index_cast %add3A_199 : i32 to index
            %get3A_211 = tpu.vector_load %arg12[%get3A_209, %get3A_210] {strides = array<i32>} : memref<28x384xf32, #tpu.memory_space<vmem>>, vector<1x16xf32>,
            %get3A_212 = vector.shape_cast %get3A_211 : vector<1x16xf32> to vector<16xf32>
            %get3A_213 = arith.index_cast %scan3A_137 : i32 to index
            %get3A_214 = arith.index_cast %add3A_199 : i32 to index
            %get3A_215 = tpu.vector_load %arg8[%get3A_213, %get3A_214] {strides = array<i32>} : memref<28x384xf32, #tpu.memory_space<vmem>>, vector<1x16xf32>,
            %get3A_216 = vector.shape_cast %get3A_215 : vector<1x16xf32> to vector<16xf32>
            %mul3A_217 = arith.mulf %get3A_212, %get3A_216 : vector<16xf32>
            %add3A_218 = arith.addf %mul3A_208, %mul3A_217 : vector<16xf32>
            %swap3A_219 = arith.index_cast %scan3A_137 : i32 to index
            %swap3A_220 = arith.index_cast %add3A_199 : i32 to index
            %swap3A_221 = tpu.vector_load %arg14[%swap3A_219, %swap3A_220] {strides = array<i32>} : memref<28x384xf32, #tpu.memory_space<vmem>>, vector<1x16xf32>,
            %swap3A_222 = vector.shape_cast %swap3A_221 : vector<1x16xf32> to vector<16xf32>
            %swap3A_223 = vector.shape_cast %add3A_218 : vector<16xf32> to vector<1x16xf32>
            tpu.vector_store %arg14[%swap3A_219, %swap3A_220], %swap3A_223 {strides = array<i32>} : memref<28x384xf32, #tpu.memory_space<vmem>>, vector<1x16xf32>,
            %add3A_224 = arith.constant 48 : i32
            %add3A_225 = arith.addi %mul3A_146, %add3A_224 : i32
            %get3A_226 = arith.index_cast %scan3A_137 : i32 to index
            %get3A_227 = arith.index_cast %add3A_225 : i32 to index
            %get3A_228 = tpu.vector_load %arg11[%get3A_226, %get3A_227] {strides = array<i32>} : memref<28x384xf32, #tpu.memory_space<vmem>>, vector<1x16xf32>,
            %get3A_229 = vector.shape_cast %get3A_228 : vector<1x16xf32> to vector<16xf32>
            %get3A_230 = arith.index_cast %scan3A_137 : i32 to index
            %get3A_231 = arith.index_cast %add3A_225 : i32 to index
            %get3A_232 = tpu.vector_load %arg7[%get3A_230, %get3A_231] {strides = array<i32>} : memref<28x384xf32, #tpu.memory_space<vmem>>, vector<1x16xf32>,
            %get3A_233 = vector.shape_cast %get3A_232 : vector<1x16xf32> to vector<16xf32>
            %mul3A_234 = arith.mulf %get3A_229, %get3A_233 : vector<16xf32>
            %get3A_235 = arith.index_cast %scan3A_137 : i32 to index
            %get3A_236 = arith.index_cast %add3A_225 : i32 to index
            %get3A_237 = tpu.vector_load %arg12[%get3A_235, %get3A_236] {strides = array<i32>} : memref<28x384xf32, #tpu.memory_space<vmem>>, vector<1x16xf32>,
            %get3A_238 = vector.shape_cast %get3A_237 : vector<1x16xf32> to vector<16xf32>
            %get3A_239 = arith.index_cast %scan3A_137 : i32 to index
            %get3A_240 = arith.index_cast %add3A_225 : i32 to index
            %get3A_241 = tpu.vector_load %arg8[%get3A_239, %get3A_240] {strides = array<i32>} : memref<28x384xf32, #tpu.memory_space<vmem>>, vector<1x16xf32>,
            %get3A_242 = vector.shape_cast %get3A_241 : vector<1x16xf32> to vector<16xf32>
            %mul3A_243 = arith.mulf %get3A_238, %get3A_242 : vector<16xf32>
            %add3A_244 = arith.addf %mul3A_234, %mul3A_243 : vector<16xf32>
            %swap3A_245 = arith.index_cast %scan3A_137 : i32 to index
            %swap3A_246 = arith.index_cast %add3A_225 : i32 to index
            %swap3A_247 = tpu.vector_load %arg14[%swap3A_245, %swap3A_246] {strides = array<i32>} : memref<28x384xf32, #tpu.memory_space<vmem>>, vector<1x16xf32>,
            %swap3A_248 = vector.shape_cast %swap3A_247 : vector<1x16xf32> to vector<16xf32>
            %swap3A_249 = vector.shape_cast %add3A_244 : vector<16xf32> to vector<1x16xf32>
            tpu.vector_store %arg14[%swap3A_245, %swap3A_246], %swap3A_249 {strides = array<i32>} : memref<28x384xf32, #tpu.memory_space<vmem>>, vector<1x16xf32>,
            %add3A_250 = arith.constant 64 : i32
            %add3A_251 = arith.addi %mul3A_146, %add3A_250 : i32
            %get3A_252 = arith.index_cast %scan3A_137 : i32 to index
            %get3A_253 = arith.index_cast %add3A_251 : i32 to index
            %get3A_254 = tpu.vector_load %arg11[%get3A_252, %get3A_253] {strides = array<i32>} : memref<28x384xf32, #tpu.memory_space<vmem>>, vector<1x16xf32>,
            %get3A_255 = vector.shape_cast %get3A_254 : vector<1x16xf32> to vector<16xf32>
            %get3A_256 = arith.index_cast %scan3A_137 : i32 to index
            %get3A_257 = arith.index_cast %add3A_251 : i32 to index
            %get3A_258 = tpu.vector_load %arg7[%get3A_256, %get3A_257] {strides = array<i32>} : memref<28x384xf32, #tpu.memory_space<vmem>>, vector<1x16xf32>,
            %get3A_259 = vector.shape_cast %get3A_258 : vector<1x16xf32> to vector<16xf32>
            %mul3A_260 = arith.mulf %get3A_255, %get3A_259 : vector<16xf32>
            %get3A_261 = arith.index_cast %scan3A_137 : i32 to index
            %get3A_262 = arith.index_cast %add3A_251 : i32 to index
            %get3A_263 = tpu.vector_load %arg12[%get3A_261, %get3A_262] {strides = array<i32>} : memref<28x384xf32, #tpu.memory_space<vmem>>, vector<1x16xf32>,
            %get3A_264 = vector.shape_cast %get3A_263 : vector<1x16xf32> to vector<16xf32>
            %get3A_265 = arith.index_cast %scan3A_137 : i32 to index
            %get3A_266 = arith.index_cast %add3A_251 : i32 to index
            %get3A_267 = tpu.vector_load %arg8[%get3A_265, %get3A_266] {strides = array<i32>} : memref<28x384xf32, #tpu.memory_space<vmem>>, vector<1x16xf32>,
            %get3A_268 = vector.shape_cast %get3A_267 : vector<1x16xf32> to vector<16xf32>
            %mul3A_269 = arith.mulf %get3A_264, %get3A_268 : vector<16xf32>
            %add3A_270 = arith.addf %mul3A_260, %mul3A_269 : vector<16xf32>
            %swap3A_271 = arith.index_cast %scan3A_137 : i32 to index
            %swap3A_272 = arith.index_cast %add3A_251 : i32 to index
            %swap3A_273 = tpu.vector_load %arg14[%swap3A_271, %swap3A_272] {strides = array<i32>} : memref<28x384xf32, #tpu.memory_space<vmem>>, vector<1x16xf32>,
            %swap3A_274 = vector.shape_cast %swap3A_273 : vector<1x16xf32> to vector<16xf32>
            %swap3A_275 = vector.shape_cast %add3A_270 : vector<16xf32> to vector<1x16xf32>
            tpu.vector_store %arg14[%swap3A_271, %swap3A_272], %swap3A_275 {strides = array<i32>} : memref<28x384xf32, #tpu.memory_space<vmem>>, vector<1x16xf32>,
            %add3A_276 = arith.constant 80 : i32
            %add3A_277 = arith.addi %mul3A_146, %add3A_276 : i32
            %get3A_278 = arith.index_cast %scan3A_137 : i32 to index
            %get3A_279 = arith.index_cast %add3A_277 : i32 to index
            %get3A_280 = tpu.vector_load %arg11[%get3A_278, %get3A_279] {strides = array<i32>} : memref<28x384xf32, #tpu.memory_space<vmem>>, vector<1x16xf32>,
            %get3A_281 = vector.shape_cast %get3A_280 : vector<1x16xf32> to vector<16xf32>
            %get3A_282 = arith.index_cast %scan3A_137 : i32 to index
            %get3A_283 = arith.index_cast %add3A_277 : i32 to index
            %get3A_284 = tpu.vector_load %arg7[%get3A_282, %get3A_283] {strides = array<i32>} : memref<28x384xf32, #tpu.memory_space<vmem>>, vector<1x16xf32>,
            %get3A_285 = vector.shape_cast %get3A_284 : vector<1x16xf32> to vector<16xf32>
            %mul3A_286 = arith.mulf %get3A_281, %get3A_285 : vector<16xf32>
            %get3A_287 = arith.index_cast %scan3A_137 : i32 to index
            %get3A_288 = arith.index_cast %add3A_277 : i32 to index
            %get3A_289 = tpu.vector_load %arg12[%get3A_287, %get3A_288] {strides = array<i32>} : memref<28x384xf32, #tpu.memory_space<vmem>>, vector<1x16xf32>,
            %get3A_290 = vector.shape_cast %get3A_289 : vector<1x16xf32> to vector<16xf32>
            %get3A_291 = arith.index_cast %scan3A_137 : i32 to index
            %get3A_292 = arith.index_cast %add3A_277 : i32 to index
            %get3A_293 = tpu.vector_load %arg8[%get3A_291, %get3A_292] {strides = array<i32>} : memref<28x384xf32, #tpu.memory_space<vmem>>, vector<1x16xf32>,
            %get3A_294 = vector.shape_cast %get3A_293 : vector<1x16xf32> to vector<16xf32>
            %mul3A_295 = arith.mulf %get3A_290, %get3A_294 : vector<16xf32>
            %add3A_296 = arith.addf %mul3A_286, %mul3A_295 : vector<16xf32>
            %swap3A_297 = arith.index_cast %scan3A_137 : i32 to index
            %swap3A_298 = arith.index_cast %add3A_277 : i32 to index
            %swap3A_299 = tpu.vector_load %arg14[%swap3A_297, %swap3A_298] {strides = array<i32>} : memref<28x384xf32, #tpu.memory_space<vmem>>, vector<1x16xf32>,
            %swap3A_300 = vector.shape_cast %swap3A_299 : vector<1x16xf32> to vector<16xf32>
            %swap3A_301 = vector.shape_cast %add3A_296 : vector<16xf32> to vector<1x16xf32>
            tpu.vector_store %arg14[%swap3A_297, %swap3A_298], %swap3A_301 {strides = array<i32>} : memref<28x384xf32, #tpu.memory_space<vmem>>, vector<1x16xf32>,
            %add3A_302 = arith.constant 96 : i32
            %add3A_303 = arith.addi %mul3A_146, %add3A_302 : i32
            %get3A_304 = arith.index_cast %scan3A_137 : i32 to index
            %get3A_305 = arith.index_cast %add3A_303 : i32 to index
            %get3A_306 = tpu.vector_load %arg11[%get3A_304, %get3A_305] {strides = array<i32>} : memref<28x384xf32, #tpu.memory_space<vmem>>, vector<1x16xf32>,
            %get3A_307 = vector.shape_cast %get3A_306 : vector<1x16xf32> to vector<16xf32>
            %get3A_308 = arith.index_cast %scan3A_137 : i32 to index
            %get3A_309 = arith.index_cast %add3A_303 : i32 to index
            %get3A_310 = tpu.vector_load %arg7[%get3A_308, %get3A_309] {strides = array<i32>} : memref<28x384xf32, #tpu.memory_space<vmem>>, vector<1x16xf32>,
            %get3A_311 = vector.shape_cast %get3A_310 : vector<1x16xf32> to vector<16xf32>
            %mul3A_312 = arith.mulf %get3A_307, %get3A_311 : vector<16xf32>
            %get3A_313 = arith.index_cast %scan3A_137 : i32 to index
            %get3A_314 = arith.index_cast %add3A_303 : i32 to index
            %get3A_315 = tpu.vector_load %arg12[%get3A_313, %get3A_314] {strides = array<i32>} : memref<28x384xf32, #tpu.memory_space<vmem>>, vector<1x16xf32>,
            %get3A_316 = vector.shape_cast %get3A_315 : vector<1x16xf32> to vector<16xf32>
            %get3A_317 = arith.index_cast %scan3A_137 : i32 to index
            %get3A_318 = arith.index_cast %add3A_303 : i32 to index
            %get3A_319 = tpu.vector_load %arg8[%get3A_317, %get3A_318] {strides = array<i32>} : memref<28x384xf32, #tpu.memory_space<vmem>>, vector<1x16xf32>,
            %get3A_320 = vector.shape_cast %get3A_319 : vector<1x16xf32> to vector<16xf32>
            %mul3A_321 = arith.mulf %get3A_316, %get3A_320 : vector<16xf32>
            %add3A_322 = arith.addf %mul3A_312, %mul3A_321 : vector<16xf32>
            %swap3A_323 = arith.index_cast %scan3A_137 : i32 to index
            %swap3A_324 = arith.index_cast %add3A_303 : i32 to index
            %swap3A_325 = tpu.vector_load %arg14[%swap3A_323, %swap3A_324] {strides = array<i32>} : memref<28x384xf32, #tpu.memory_space<vmem>>, vector<1x16xf32>,
            %swap3A_326 = vector.shape_cast %swap3A_325 : vector<1x16xf32> to vector<16xf32>
            %swap3A_327 = vector.shape_cast %add3A_322 : vector<16xf32> to vector<1x16xf32>
            tpu.vector_store %arg14[%swap3A_323, %swap3A_324], %swap3A_327 {strides = array<i32>} : memref<28x384xf32, #tpu.memory_space<vmem>>, vector<1x16xf32>,
            %add3A_328 = arith.constant 112 : i32
            %add3A_329 = arith.addi %mul3A_146, %add3A_328 : i32
            %get3A_330 = arith.index_cast %scan3A_137 : i32 to index
            %get3A_331 = arith.index_cast %add3A_329 : i32 to index
            %get3A_332 = tpu.vector_load %arg11[%get3A_330, %get3A_331] {strides = array<i32>} : memref<28x384xf32, #tpu.memory_space<vmem>>, vector<1x16xf32>,
            %get3A_333 = vector.shape_cast %get3A_332 : vector<1x16xf32> to vector<16xf32>
            %get3A_334 = arith.index_cast %scan3A_137 : i32 to index
            %get3A_335 = arith.index_cast %add3A_329 : i32 to index
            %get3A_336 = tpu.vector_load %arg7[%get3A_334, %get3A_335] {strides = array<i32>} : memref<28x384xf32, #tpu.memory_space<vmem>>, vector<1x16xf32>,
            %get3A_337 = vector.shape_cast %get3A_336 : vector<1x16xf32> to vector<16xf32>
            %mul3A_338 = arith.mulf %get3A_333, %get3A_337 : vector<16xf32>
            %get3A_339 = arith.index_cast %scan3A_137 : i32 to index
            %get3A_340 = arith.index_cast %add3A_329 : i32 to index
            %get3A_341 = tpu.vector_load %arg12[%get3A_339, %get3A_340] {strides = array<i32>} : memref<28x384xf32, #tpu.memory_space<vmem>>, vector<1x16xf32>,
            %get3A_342 = vector.shape_cast %get3A_341 : vector<1x16xf32> to vector<16xf32>
            %get3A_343 = arith.index_cast %scan3A_137 : i32 to index
            %get3A_344 = arith.index_cast %add3A_329 : i32 to index
            %get3A_345 = tpu.vector_load %arg8[%get3A_343, %get3A_344] {strides = array<i32>} : memref<28x384xf32, #tpu.memory_space<vmem>>, vector<1x16xf32>,
            %get3A_346 = vector.shape_cast %get3A_345 : vector<1x16xf32> to vector<16xf32>
            %mul3A_347 = arith.mulf %get3A_342, %get3A_346 : vector<16xf32>
            %add3A_348 = arith.addf %mul3A_338, %mul3A_347 : vector<16xf32>
            %swap3A_349 = arith.index_cast %scan3A_137 : i32 to index
            %swap3A_350 = arith.index_cast %add3A_329 : i32 to index
            %swap3A_351 = tpu.vector_load %arg14[%swap3A_349, %swap3A_350] {strides = array<i32>} : memref<28x384xf32, #tpu.memory_space<vmem>>, vector<1x16xf32>,
            %swap3A_352 = vector.shape_cast %swap3A_351 : vector<1x16xf32> to vector<16xf32>
            %swap3A_353 = vector.shape_cast %add3A_348 : vector<16xf32> to vector<1x16xf32>
            tpu.vector_store %arg14[%swap3A_349, %swap3A_350], %swap3A_353 {strides = array<i32>} : memref<28x384xf32, #tpu.memory_space<vmem>>, vector<1x16xf32>,
          }
          %scan3A_143 = arith.constant 3 : i32
        }
        %scan3A_128 = arith.constant 28 : i32
        %dma_start3A_129 = arith.constant 0 : i32
        %dma_start3A_130 = arith.constant 0 : i32
        %dma_start3A_131 = tpu.memref_slice %arg6[%add3A_92, %add3A, %dma_start3A_129, %dma_start3A_130] : memref<64x28x28x384xf32, #tpu.memory_space<hbm>> -> memref<1x1x28x384xf32, #tpu.memory_space<hbm>>
        %dma_start3A_132 = tpu.memref_squeeze %dma_start3A_131 : memref<1x1x28x384xf32, #tpu.memory_space<hbm>> -> memref<28x384xf32, #tpu.memory_space<hbm>>
        %dma_start3A_133 = arith.constant 0 : i32
        %dma_start3A_134 = arith.constant 0 : i32
        %dma_start3A_135 = tpu.memref_slice %arg6[%add3A_92, %add3A, %dma_start3A_133, %dma_start3A_134] : memref<64x28x28x384xf32, #tpu.memory_space<hbm>> -> memref<1x1x28x384xf32, #tpu.memory_space<hbm>>
        %dma_start3A_136 = tpu.memref_squeeze %dma_start3A_135 : memref<1x1x28x384xf32, #tpu.memory_space<hbm>> -> memref<28x384xf32, #tpu.memory_space<hbm>>
        tpu.enqueue_dma source(%arg14 : memref<28x384xf32, #tpu.memory_space<vmem>>) target(%dma_start3A_136 : memref<28x384xf32, #tpu.memory_space<hbm>>) target_semaphore(%arg21 : memref<!tpu.dma_semaphore, #tpu.memory_space<semaphore_mem>>)
      }
      %scan3A_25 = arith.constant 2 : i32
      %dma_wait3A = arith.constant 62 : i32
      %dma_wait3A_26 = arith.constant 0 : i32
      %dma_wait3A_27 = arith.constant 0 : i32
      %dma_wait3A_28 = tpu.memref_slice %arg6[%dma_wait3A, %add3A, %dma_wait3A_26, %dma_wait3A_27] : memref<64x28x28x384xf32, #tpu.memory_space<hbm>> -> memref<1x1x28x384xf32, #tpu.memory_space<hbm>>
      %dma_wait3A_29 = tpu.memref_squeeze %dma_wait3A_28 : memref<1x1x28x384xf32, #tpu.memory_space<hbm>> -> memref<28x384xf32, #tpu.memory_space<hbm>>
      %dma_wait3A_30 = arith.constant 0 : i32
      %dma_wait3A_31 = arith.constant 0 : i32
      %dma_wait3A_32 = tpu.memref_slice %arg6[%dma_wait3A, %add3A, %dma_wait3A_30, %dma_wait3A_31] : memref<64x28x28x384xf32, #tpu.memory_space<hbm>> -> memref<1x1x28x384xf32, #tpu.memory_space<hbm>>
      %dma_wait3A_33 = tpu.memref_squeeze %dma_wait3A_32 : memref<1x1x28x384xf32, #tpu.memory_space<hbm>> -> memref<28x384xf32, #tpu.memory_space<hbm>>
      tpu.wait_dma2 semaphore(%arg20 : memref<!tpu.dma_semaphore, #tpu.memory_space<semaphore_mem>>) src(%arg13 : memref<28x384xf32, #tpu.memory_space<vmem>>) dst(%dma_wait3A_33 : memref<28x384xf32, #tpu.memory_space<hbm>>)
      %dma_wait3A_34 = arith.constant 63 : i32
      %dma_wait3A_35 = arith.constant 0 : i32
      %dma_wait3A_36 = arith.constant 0 : i32
      %dma_wait3A_37 = tpu.memref_slice %arg6[%dma_wait3A_34, %add3A, %dma_wait3A_35, %dma_wait3A_36] : memref<64x28x28x384xf32, #tpu.memory_space<hbm>> -> memref<1x1x28x384xf32, #tpu.memory_space<hbm>>
      %dma_wait3A_38 = tpu.memref_squeeze %dma_wait3A_37 : memref<1x1x28x384xf32, #tpu.memory_space<hbm>> -> memref<28x384xf32, #tpu.memory_space<hbm>>
      %dma_wait3A_39 = arith.constant 0 : i32
      %dma_wait3A_40 = arith.constant 0 : i32
      %dma_wait3A_41 = tpu.memref_slice %arg6[%dma_wait3A_34, %add3A, %dma_wait3A_39, %dma_wait3A_40] : memref<64x28x28x384xf32, #tpu.memory_space<hbm>> -> memref<1x1x28x384xf32, #tpu.memory_space<hbm>>
      %dma_wait3A_42 = tpu.memref_squeeze %dma_wait3A_41 : memref<1x1x28x384xf32, #tpu.memory_space<hbm>> -> memref<28x384xf32, #tpu.memory_space<hbm>>
      tpu.wait_dma2 semaphore(%arg21 : memref<!tpu.dma_semaphore, #tpu.memory_space<semaphore_mem>>) src(%arg14 : memref<28x384xf32, #tpu.memory_space<vmem>>) dst(%dma_wait3A_42 : memref<28x384xf32, #tpu.memory_space<hbm>>)
    } else {
    }
    return
  }
}

</mosaic_0001>

<sc_bundles>
// kernel: kernel.3.cloned.1.call-start
scs
__scs_entry_jumppad:
0x0: {  	(pc) =	sbr.rel $0x88, $3  }
0x1: {  	(tag) =	ssettag $0x0;
	lr =	simm.s32 $0x1  }
0x2: {  	[smem:$0x3FA0] =	sst lr;
	_ =	strace $0xD0000000  }
0x3: {  	_ = 	snop  }
0x4: {  	_ = 	snop  }
0x5: {  	_ = 	snop  }
0x6: {  	_ = 	snop  }
0x7: {  	_ = 	snop  }
__scs_overlays_trampoline_lowered:
0x8: {  	[smem:$0x3FAF] =	sst s0  }
0x9: {  	[smem:$0x3FB0] =	sst s1  }
0xa: {  	[smem:$0x3FB1] =	sst s2  }
0xb: {  	[smem:$0x3FB2] =	sst s3  }
0xc: {  	[smem:$0x3FB3] =	sst s4  }
0xd: {  	[smem:$0x3FB4] =	sst s5  }
0xe: {  	[smem:$0x3FB5] =	sst s6  }
0xf: {  	[smem:$0x3FB6] =	sst s7  }
0x10: {  	[smem:$0x3FB7] =	sst s8  }
0x11: {  	[smem:$0x3FB8] =	sst s9;
	s0 =	simm.s32 @!p0 $0x0  }
0x12: {  	s1 =	sld [smem:$0x3F9E];
	s0 =	simm.s32 @p0 $0x1  }
0x13: {  	[smem:$0x3FB9] =	sst s0;
	s0 =	simm.s32 @!p1 $0x0  }
0x14: {  	s2 =	sld [smem:$0x3F9D];
	s0 =	simm.s32 @p1 $0x1  }
0x15: {  	[smem:$0x3FBA] =	sst s0;
	s0 =	simm.s32 @!p2 $0x0  }
0x16: {  	s3 =	sld [smem:$0x3FDB];
	s0 =	simm.s32 @p2 $0x1  }
0x17: {  	s4 =	simm.s32 $0x1BF5;
	[smem:$0x3FBC] =	sst s0  }
0x18: {  	s0 =	sld [smem:$0x3F9F];
	_ =	swait.ge [sflag:s4], $0x0  }
0x19: {  	s7 =	sld [smem:$0x3FA0]  }
0x1a: {  	s8 =	sadd.s32 $0xFFFFE003, lr  }
0x1b: {  	s9 =	sadd.s32 $0xFFFFFEF7, lr;
	s5 =	simm.s32 $0xFFFFFFFF;
	p2 =	slt.u32 s8, $0xFFFFF086  }
0x1c: {  	p1 =	slt.u32 s9, $0xF7A;
	s5 =	simm.s32 @!p2 $0x0  }
0x1d: {  	s5 =	simm.s32 @p1 $0x1;
	p0 =	seq.s32 s7, s2  }
0x1e: {  	s7 =	smul.u32 @!p0 $0xF7A, s2;
	p2 =	seq.s32 @!p0 s5, $0x0  }
0x1f: {  	s9 =	smul.u32 $0xF7A, s1;
	s8 =	simm.s32 @!p0 $0x1BF5;
	p2 =	por !p2, p0  }
0x20: {  	[sflag:s8] =	ssyncset.s32 @!p0 $0xFFFFF086;
	s6 =	sadd.s32 @!p0 s3, s7;
	s7 =	simm.s32 @!p0 $0x108  }
0x21: {  	s3 =	sadd.s32 s3, s9;
	s6 =	sadd.s32 @!p0 $0x88, s6;
	s7 =	simm.s32 @p2 $0x1082  }
0x22: {  	[simem:s7], [sflag:s8] =	dma.local @!p0 [hbm:s6], $0xF7A  }
0x23: {  	s9 =	sor.u32 $0xD0000000, s2;
	s6 =	simm.s32 $0x108;
	_ =	swait.ge @!p0 [sflag:s8], $0x0  }
0x24: {  	s3 =	sadd.s32 $0x88, s3;
	s6 =	simm.s32 @!p1 $0x1082;
	[sflag:s4] =	ssyncset.s32 $0xFFFFF086  }
0x25: {  	[simem:s6], [sflag:s4] =	dma.local [hbm:s3], $0xF7A  }
0x26: {  	[smem:$0x3FA0] =	sst s1;
	(tag) =	ssettag s2;
	_ =	strace s9  }
0x27: {  	s1 =	sld [smem:$0x3FB0]  }
0x28: {  	s2 =	sld [smem:$0x3FB1]  }
0x29: {  	s4 =	sld [smem:$0x3FB3]  }
0x2a: {  	p0 =	seq.s32 s5, $0x0;
	s5 =	sld [smem:$0x3FB4]  }
0x2b: {  	s6 =	sld [smem:$0x3FB5]  }
0x2c: {  	s7 =	sld [smem:$0x3FB6]  }
0x2d: {  	s3 =	simm.s32 $0x108;
	s8 =	sld [smem:$0x3FB7]  }
0x2e: {  	s3 =	simm.s32 @!p0 $0x1082;
	s9 =	sld [smem:$0x3FB8]  }
0x2f: {  	lr =	sadd.s32 s0, s3;
	s0 =	sld [smem:$0x3FAF]  }
0x30: {  	s3 =	sld [smem:$0x3FB2]  }
0x31: {  	[smem:$0x3FBB] =	sst s10  }
0x32: {  	s10 =	sld [smem:$0x3FB9];
	_ =	sdelay $0x3  }
0x33: {  	p0 =	seq.s32 s10, $0x1;
	s10 =	sld [smem:$0x3FBB];
	_ =	sdelay $0x3  }
0x34: {  	[smem:$0x3FBB] =	sst s10  }
0x35: {  	s10 =	sld [smem:$0x3FBA];
	_ =	sdelay $0x3  }
0x36: {  	p1 =	seq.s32 s10, $0x1;
	s10 =	sld [smem:$0x3FBB];
	_ =	sdelay $0x3  }
0x37: {  	[smem:$0x3FBB] =	sst s10  }
0x38: {  	s10 =	sld [smem:$0x3FBC]  }
0x39: {  	_ = 	snop;
	(pc) =	sbr.ind lr, $3  }
0x3a: {  	_ = 	snop  }
0x3b: {  	_ = 	snop  }
0x3c: {  	p2 =	seq.s32 s10, $0x1;
	s10 =	sld [smem:$0x3FBB]  }
0x3d: {  	_ =	shalt  }
0x3e: {  	_ =	shalt  }
0x3f: {  	_ =	shalt  }
0x40: {  	_ =	shalt  }
0x41: {  	_ =	shalt  }
0x42: {  	_ =	shalt  }
0x43: {  	_ =	shalt  }
0x44: {  	_ =	shalt  }
0x45: {  	_ =	shalt  }
0x46: {  	_ =	shalt  }
0x47: {  	_ =	shalt  }
0x48: {  	_ =	shalt  }
0x49: {  	_ =	shalt  }
0x4a: {  	_ =	shalt  }
0x4b: {  	_ =	shalt  }
0x4c: {  	_ =	shalt  }
0x4d: {  	_ =	shalt  }
0x4e: {  	_ =	shalt  }
0x4f: {  	_ =	shalt  }
0x50: {  	_ =	shalt  }
0x51: {  	_ =	shalt  }
0x52: {  	_ =	shalt  }
0x53: {  	_ =	shalt  }
0x54: {  	_ =	shalt  }
0x55: {  	_ =	shalt  }
0x56: {  	_ =	shalt  }
0x57: {  	_ =	shalt  }
0x58: {  	_ =	shalt  }
0x59: {  	_ =	shalt  }
0x5a: {  	_ =	shalt  }
0x5b: {  	_ =	shalt  }
0x5c: {  	_ =	shalt  }
0x5d: {  	_ =	shalt  }
0x5e: {  	_ =	shalt  }
0x5f: {  	_ =	shalt  }
0x60: {  	_ =	shalt  }
0x61: {  	_ =	shalt  }
0x62: {  	_ =	shalt  }
0x63: {  	_ =	shalt  }
0x64: {  	_ =	shalt  }
0x65: {  	_ =	shalt  }
0x66: {  	_ =	shalt  }
0x67: {  	_ =	shalt  }
0x68: {  	_ =	shalt  }
0x69: {  	_ =	shalt  }
0x6a: {  	_ =	shalt  }
0x6b: {  	_ =	shalt  }
0x6c: {  	_ =	shalt  }
0x6d: {  	_ =	shalt  }
0x6e: {  	_ =	shalt  }
0x6f: {  	_ =	shalt  }
0x70: {  	_ =	shalt  }
0x71: {  	_ =	shalt  }
0x72: {  	_ =	shalt  }
0x73: {  	_ =	shalt  }
0x74: {  	_ =	shalt  }
0x75: {  	_ =	shalt  }
0x76: {  	_ =	shalt  }
0x77: {  	_ =	shalt  }
0x78: {  	_ =	shalt  }
0x79: {  	_ =	shalt  }
0x7a: {  	_ =	shalt  }
0x7b: {  	_ =	shalt  }
0x7c: {  	_ =	shalt  }
0x7d: {  	_ =	shalt  }
0x7e: {  	_ =	shalt  }
0x7f: {  	_ =	shalt  }
0x80: {  	_ =	shalt  }
0x81: {  	_ =	shalt  }
0x82: {  	_ =	shalt  }
0x83: {  	_ =	shalt  }
0x84: {  	_ =	shalt  }
0x85: {  	_ =	shalt  }
0x86: {  	_ =	shalt  }
0x87: {  	_ =	shalt  }
.Lfunc_end0:
.L_simem_size_0:
called_computation_lowered:
.L_overlay_start_0:
0x88: {  	s2 =	sld [smem:$0x3FD9]  }
0x89: {  	s3 =	sld [smem:$0x3FFE];
	_ =	sdelay $0x1  }
0x8a: {  	s1 =	srdreg.scid  }
0x8b: {  	s0 =	sand.u32 $0x1, s1  }
0x8c: {  	s17 =	sshll.u32 s0, $0xA;
	s2 =	sadd.s32 s3, s2  }
0x8d: {  	s2 =	sadd.s32 s2, s17  }
0x8e: {  	[smem:$0x3FC7] =	sst s2  }
0x8f: {  	_ = 	snop  }
0x90: {  	s2 =	sld [smem:$0x3FD0];
	(tm) =	ssettm $0x1  }
0x91: {  	s18 =	sld [smem:$0x3FFB];
	_ =	sdelay $0x3  }
0x92: {  	_ =	strace s18  }
0x93: {  	s3 =	sld [smem:$0x3FFC];
	_ =	sdelay $0x3  }
0x94: {  	_ =	strace s3  }
0x95: {  	s3 =	sld [smem:$0x3FFD];
	_ =	sdelay $0x3  }
0x96: {  	_ =	strace s3  }
0x97: {  	_ =	strace $0x8FFFFFFF  }
0x98: {  	s19 =	sld [smem:$0x3FDB];
	_ =	sdelay $0x1  }
0x99: {  	s4 =	simm.s32 $_scs_section_size  }
0x9a: {  	s5 =	simm.s32 $_size__tile_overlayer_lowered;
	s6 =	simm.s32 $_tile_overlayer_lowered  }
0x9b: {  	s22 =	simm.s32 $0x1BFF;
	s21 =	sshll.u32 s6, $0x1;
	s3 =	sadd.s32 s4, s19  }
0x9c: {  	s7 =	simm.s32 $0x0;
	s20 =	sshll.u32 s5, $0x1;
	s5 =	sadd.s32 s21, s3  }
0x9d: {  	[timem:s7], [sflag:s22] =	dma.local [hbm:s5], s20  }
0x9e: {  	_ =	swait.ge [sflag:s22], s20  }
0x9f: {  	s4 =	ssub.s32 $0x0, s20;
	[sflag:s22] =	ssyncset.done $0x0  }
0xa0: {  	[sflag:s22] =	ssyncadd.s32 s4;
	_ =	sdelay $0x1  }
0xa1: {  	s23 =	simm.s32 $0x1B8B  }
0xa2: {  	_ =	swait.ge [sflag:s23], $0x1  }
0xa3: {  	[sflag:s23] =	ssyncset.done $0x0  }
0xa4: {  	s25 =	simm.s32 $0x1B8E;
	s24 =	sld [smem:$0x3FFE];
	[sflag:s23] =	ssyncadd.s32 $0xFFFFFFFF  }
0xa5: {  	s26 =	simm.s32 $execute0_lowered;
	[smem:$0x3FD2] =	sst s25  }
0xa6: {  	s5 =	sshll.u32 s26, $0x1;
	_ =	strace $0x80000046;
	[dreg:$0x1] =	wrdreg $0xFFFFFFFF  }
0xa7: {  	s28 =	simm.s32 $_size_execute0_lowered;
	s3 =	sadd.s32 s3, s5;
	[dreg:$0x0] =	wrdreg $0x0  }
0xa8: {  	s5 =	sshll.u32 s28, $0x1;
	[dreg:$0x2] =	wrdreg s3  }
0xa9: {  	[dreg:$0x3] =	wrdreg s5  }
0xaa: {  	[dreg:$0x4] =	wrdreg $0xC0  }
0xab: {  	_ =	task [dreg:s7], $0x5FFFF  }
0xac: {  	[dreg:$0x1] =	wrdreg $0xFFFFFFFF  }
0xad: {  	[dreg:$0x0] =	wrdreg $0x60  }
0xae: {  	[dreg:$0x2] =	wrdreg s24  }
0xaf: {  	[dreg:$0x3] =	wrdreg s2  }
0xb0: {  	[dreg:$0x4] =	wrdreg $0x9  }
0xb1: {  	_ =	task.clear_ibuf [dreg:s7], $0x5FFFF;
	_ =	strace $0x90000046  }
0xb2: {  	s29 =	simm.s32 $0x9;
	_ =	strace $0x80000048  }
0xb3: {  	_ =	swait.ge [sflag:s29], $0x1  }
0xb4: {  	[sflag:s29] =	ssyncadd.s32 $0xFFFFFFFF  }
0xb5: {  	_ =	strace $0x90000048  }
0xb6: {  	_ =	sfence  }
0xb7: {  	s30 =	sld [smem:$0x0];
	_ =	sdelay $0x2  }
0xb8: {  	s31 =	sshll.u32 s1, $0xD;
	s1 =	sshrl.u32 s1, $0x2  }
0xb9: {  	s3 =	sand.u32 $0x4000, s31;
	s1 =	sadd.s32 s1, s30  }
0xba: {  	s0 =	sor.u32 s3, s0;
	s1 =	sshll.u32 s1, $0x11  }
0xbb: {  	s0 =	sor.u32 s1, s0  }
0xbc: {  	s0 =	sadd.s32 $0x8F2B, s0  }
0xbd: {  	[sflag:s0] =	ssyncadd.remote.s32 $0x1  }
0xbe: {  	_ =	sfence.sel $0xFFFF  }
0xbf: {  	[dreg:$0x0] =	wrdreg $0xFFFFFFFF;
	(pc) =	sbr.abs _section_cstart, $3  }
0xc0: {  	[dreg:$0x1] =	wrdreg $0xFFFFFFFF  }
0xc1: {  	_ =	task.clear_ibuf [dreg:s7], $0x2FFFF;
	_ =	strace $0x9FFFFFFF  }
0xc2: {  	(tm) =	ssettm $0x7FFFFFFF  }
0xc3: {  	_ =	shalt  }
tec
execute0_lowered:
.L_overlay_start_1:
0x0: {  	(tag) =	ssettag $0x1  }
0x1: {  	s3 =	stileid.u32  }
0x2: {  	p0 =	sgt.u32 s3, $0xD  }
.Ltmp0:
0x3: {  	_ = 	snop;
	(pc) =	sbr.rel @p0 .LBB2_13-.Ltmp0, $4  }
0x4: {  	_ = 	snop  }
0x5: {  	s1 =	rddreg [dreg:$0x0];
	s2 =	simm.s32 $0x0  }
0x6: {  	[smem:$0x7FF] =	sst s2  }
0x7: {  	s0 =	rddreg [dreg:$0x1];
	_ =	strace $0x80000047  }
0x8: {  	s3 =	srdreg.scid  }
0x9: {  	s30 =	stileid.u32;
	s4 =	sadd.s32 $0xA00, s1;
	s5 =	sadd.s32 $0x2A0A00, s1  }
0xa: {  	s12 =	simm.s32 $0x7;
	s15 =	simm.s32 $0x6000;
	s16 =	simm.s32 $0x9000  }
0xb: {  	s17 =	simm.s32 $0xC000;
	s18 =	simm.s32 $0xF000;
	s19 =	simm.s32 $0x1  }
0xc: {  	s20 =	simm.s32 $0x2;
	s21 =	simm.s32 $0x12000;
	s22 =	simm.s32 $0x3  }
0xd: {  	s23 =	simm.s32 $0x4;
	s6 =	sand.u32 $0x1, s3;
	s3 =	sshll.u32 s30, $0x1  }
0xe: {  	s24 =	simm.s32 $0x15000;
	s25 =	simm.s32 $0x5;
	s3 =	sor.u32 s6, s3  }
0xf: {  	s26 =	simm.s32 $0x6;
	s28 =	simm.s32 $0x0;
	s3 =	smul.u32 $0x3000, s3  }
0x10: {  	[dreg:$0x3] =	wrdreg s5;
	s11 =	ssub.s32 $0x2, s6;
	s6 =	sadd.s32 $0x2AB400, s1  }
0x11: {  	s31 =	sshrl.u32 s11, $0x1;
	s10 =	sshrl.u32 s3, $0x3;
	s9 =	sadd.s32 $0x54000, s3  }
0x12: {  	s7 =	sadd.s32 s10, s1;
	s8 =	sadd.s32 s4, s10;
	s1 =	ssub.s32 s11, s31  }
0x13: {  	s10 =	sadd.s32 s0, s10;
	s7 =	sadd.s32 $0x2A0C00, s7;
	s11 =	smax.u32 s1, $0x1  }
.LBB2_2:
0x14: {  	s0 =	simm.s32 $0x0  }
0x15: {  	[tilespmem:s0], [sflag:$0x7] =	stream.linear.gather [hbm4b:s10+s0], $0x3000, $0x38;
	[tilespmem:$0x18080] =	vst v63  }
0x16: {  	_ =	swait.ge [sflag:s12], $0x3000  }
0x17: {  	[sflag:s12] =	ssyncset.done $0x0  }
0x18: {  	s1 =	simm.s32 $0x3000;
	[sflag:s12] =	ssyncadd.s32 $0xFFFFD000  }
0x19: {  	[tilespmem:s1], [sflag:$0x7] =	stream.linear.gather [hbm4b:s7+s0], $0x3000, $0x38;
	[tilespmem:$0x18080] =	vst v63  }
0x1a: {  	_ =	swait.ge [sflag:s12], $0x3000  }
0x1b: {  	[sflag:s12] =	ssyncset.done $0x0  }
0x1c: {  	s5 =	simm.s32 $0x18000;
	s30 =	rddreg [dreg:$0x3];
	[sflag:s12] =	ssyncadd.s32 $0xFFFFD000  }
0x1d: {  	[tilespmem:s5], [sflag:$0x7] =	stream.linear.gather [hbm4b:s30+s0], $0x80, $0x38;
	[tilespmem:$0x18080] =	vst v63  }
0x1e: {  	_ =	swait.ge [sflag:s12], $0x80  }
0x1f: {  	[sflag:s12] =	ssyncset.done $0x0  }
0x20: {  	[sflag:s12] =	ssyncadd.s32 $0xFFFFFF80  }
0x21: {  	[tilespmem:s15], [sflag:$0x1] =	stream.linear.gather [hbm4b:s8+s0], $0x3000, $0x38;
	[tilespmem:$0x18080] =	vst v63  }
0x22: {  	v0 =	vld [tilespmem:$0x18000];
	_ =	sdelay $0x4  }
0x23: {  	(v2sf) =	vpush v0, $0x0;
	_ =	sdelay $0xe  }
0x24: {  	s31 =	spop (v2sf)  }
0x25: {  	s1 =	smul.u32 $0x54000, s31;
	_ =	sdelay $0x1  }
0x26: {  	s1 =	sadd.s32 s3, s1  }
0x27: {  	s1 =	sshrl.u32 s1, $0x3  }
0x28: {  	p1 =	por $0x1, $0x1;
	s1 =	sadd.s32 s4, s1  }
0x29: {  	[tilespmem:s16], [sflag:$0x2] =	stream.linear.gather [hbm4b:s1+s0], $0x3000, $0x38;
	[tilespmem:$0x18080] =	vst v63  }
.LBB2_3:
0x2a: {  	s31 =	smul.u32 $0xA8000, s0;
	_ =	sdelay $0x1  }
0x2b: {  	s1 =	sadd.s32 s31, s9  }
0x2c: {  	s29 =	sshrl.u32 s1, $0x3  }
0x2d: {  	s30 =	sshll.u32 s0, $0x1;
	s13 =	sadd.s32 s4, s29  }
0x2e: {  	[tilespmem:s17], [sflag:$0x3] =	stream.linear.gather [hbm4b:s13+s2], $0x3000, $0x38;
	[tilespmem:$0x18080] =	vst v63  }
0x2f: {  	v0 =	vld [tilespmem:s30+$0x18001];
	_ =	sdelay $0x4  }
0x30: {  	(v2sf) =	vpush v0, $0x0;
	_ =	sdelay $0xe  }
0x31: {  	s14 =	spop (v2sf)  }
0x32: {  	s0 =	smul.u32 $0x54000, s14;
	_ =	sdelay $0x1  }
0x33: {  	s0 =	sadd.s32 s3, s0  }
0x34: {  	s0 =	sshrl.u32 s0, $0x3  }
0x35: {  	s0 =	sadd.s32 s4, s0  }
0x36: {  	[tilespmem:s18], [sflag:$0x4] =	stream.linear.gather [hbm4b:s0+s2], $0x3000, $0x38;
	[tilespmem:$0x18080] =	vst v63  }
0x37: {  	_ =	swait.ge [sflag:s19], $0x3000  }
0x38: {  	[sflag:s19] =	ssyncset.done $0x0  }
0x39: {  	[sflag:s19] =	ssyncadd.s32 $0xFFFFD000  }
0x3a: {  	_ =	swait.ge [sflag:s20], $0x3000  }
0x3b: {  	[sflag:s20] =	ssyncset.done $0x0  }
0x3c: {  	s0 =	simm.s32 @!p1 $0x5;
	[sflag:s20] =	ssyncadd.s32 $0xFFFFD000  }
0x3d: {  	_ =	swait.ge @!p1 [sflag:s0], $0x3000  }
0x3e: {  	p0 =	por p1, p1;
	[sflag:s0] =	ssyncset.done @!p1 $0x0  }
0x3f: {  	s1 =	simm.s32 $0x0;
	[sflag:s0] =	ssyncadd.s32 @!p1 $0xFFFFD000;
	s0 =	simm.s32 $0x0  }
.LBB2_4:
0x40: {  	s13 =	sshrl.u32 s1, $0x3  }
0x41: {  	s14 =	sand.u32 $0x7, s0;
	s13 =	smul.u32 $0x3000, s13  }
0x42: {  	s14 =	sshll.u32 s14, $0x9  }
0x43: {  	s13 =	sor.u32 s14, s13  }
0x44: {  	s14 =	sshra.s32 s13, $0x2  }
0x45: {  	s13 =	sadd.s32 $0x3070, s14  }
0x46: {  	s5 =	sadd.s32 $0x6040, s14;
	v0 =	vmov s13  }
0x47: {  	s13 =	sadd.s32 $0x9070, s14;
	v2 =	vmov s5  }
0x48: {  	s5 =	sor.u32 $0x40, s14;
	v1 =	vmov s13  }
0x49: {  	v3 =	vmov s5  }
0x4a: {  	s13 =	simm.s32 $0x0  }
0x4b: {  	v5 =	vld.idx.msk [tilespmem:v0+s13+$0xFFFFFF90 ss:$0x1], $0xffff  }
0x4c: {  	v6 =	vld.idx.msk [tilespmem:v2+s13+$0xFFFFFFC0 ss:$0x1], $0xffff  }
0x4d: {  	v7 =	vld.idx.msk [tilespmem:v1+s13+$0xFFFFFF90 ss:$0x1], $0xffff  }
0x4e: {  	v8 =	vld.idx.msk [tilespmem:v3+s13+$0xFFFFFFC0 ss:$0x1], $0xffff;
	_ =	sdelay $0x2  }
0x4f: {  	s14 =	sadd.s32 $0x12070, s14  }
0x50: {  	v4 =	vmov s14  }
0x51: {  	v5 =	vmul.f32 v5, v7;
	v6 =	vmul.f32 v8, v6;
	_ =	sdelay $0x1  }
0x52: {  	v5 =	vadd.f32 v5, v6;
	_ =	sdelay $0x1  }
0x53: {  	[tilespmem:v4+s13+$0xFFFFFF90 ss:$0x1] =	vst.idx.msk $0xffff, v5  }
0x54: {  	v5 =	vld.idx.msk [tilespmem:v2+s13+$0xFFFFFFD0 ss:$0x1], $0xffff  }
0x55: {  	v6 =	vld.idx.msk [tilespmem:v3+s13+$0xFFFFFFD0 ss:$0x1], $0xffff  }
0x56: {  	v7 =	vld.idx.msk [tilespmem:v1+s13+$0xFFFFFFA0 ss:$0x1], $0xffff  }
0x57: {  	v8 =	vld.idx.msk [tilespmem:v0+s13+$0xFFFFFFA0 ss:$0x1], $0xffff;
	_ =	sdelay $0x4  }
0x58: {  	v5 =	vmul.f32 v6, v5;
	v6 =	vmul.f32 v8, v7;
	_ =	sdelay $0x1  }
0x59: {  	v5 =	vadd.f32 v6, v5;
	_ =	sdelay $0x1  }
0x5a: {  	[tilespmem:v4+s13+$0xFFFFFFA0 ss:$0x1] =	vst.idx.msk $0xffff, v5  }
0x5b: {  	v5 =	vld.idx.msk [tilespmem:v1+s13+$0xFFFFFFB0 ss:$0x1], $0xffff  }
0x5c: {  	v6 =	vld.idx.msk [tilespmem:v3+s13+$0xFFFFFFE0 ss:$0x1], $0xffff  }
0x5d: {  	v7 =	vld.idx.msk [tilespmem:v2+s13+$0xFFFFFFE0 ss:$0x1], $0xffff  }
0x5e: {  	v8 =	vld.idx.msk [tilespmem:v0+s13+$0xFFFFFFB0 ss:$0x1], $0xffff;
	_ =	sdelay $0x4  }
0x5f: {  	v6 =	vmul.f32 v6, v7;
	v5 =	vmul.f32 v8, v5;
	_ =	sdelay $0x1  }
0x60: {  	v5 =	vadd.f32 v5, v6;
	_ =	sdelay $0x1  }
0x61: {  	[tilespmem:v4+s13+$0xFFFFFFB0 ss:$0x1] =	vst.idx.msk $0xffff, v5  }
0x62: {  	v5 =	vld.idx.msk [tilespmem:v0+s13+$0xFFFFFFC0 ss:$0x1], $0xffff  }
0x63: {  	v6 =	vld.idx.msk [tilespmem:v2+s13+$0xFFFFFFF0 ss:$0x1], $0xffff  }
0x64: {  	v7 =	vld.idx.msk [tilespmem:v3+s13+$0xFFFFFFF0 ss:$0x1], $0xffff  }
0x65: {  	v8 =	vld.idx.msk [tilespmem:v1+s13+$0xFFFFFFC0 ss:$0x1], $0xffff;
	_ =	sdelay $0x4  }
0x66: {  	v6 =	vmul.f32 v7, v6;
	v5 =	vmul.f32 v5, v8;
	_ =	sdelay $0x1  }
0x67: {  	v5 =	vadd.f32 v5, v6;
	_ =	sdelay $0x1  }
0x68: {  	[tilespmem:v4+s13+$0xFFFFFFC0 ss:$0x1] =	vst.idx.msk $0xffff, v5  }
0x69: {  	v5 =	vld.idx.msk [tilespmem:v3+s13+$0x0 ss:$0x1], $0xffff  }
0x6a: {  	v6 =	vld.idx.msk [tilespmem:v0+s13+$0xFFFFFFD0 ss:$0x1], $0xffff  }
0x6b: {  	v7 =	vld.idx.msk [tilespmem:v2+s13+$0x0 ss:$0x1], $0xffff  }
0x6c: {  	v8 =	vld.idx.msk [tilespmem:v1+s13+$0xFFFFFFD0 ss:$0x1], $0xffff;
	_ =	sdelay $0x4  }
0x6d: {  	v5 =	vmul.f32 v5, v7;
	v6 =	vmul.f32 v6, v8;
	_ =	sdelay $0x1  }
0x6e: {  	v5 =	vadd.f32 v6, v5;
	_ =	sdelay $0x1  }
0x6f: {  	[tilespmem:v4+s13+$0xFFFFFFD0 ss:$0x1] =	vst.idx.msk $0xffff, v5  }
0x70: {  	v5 =	vld.idx.msk [tilespmem:v2+s13+$0x10 ss:$0x1], $0xffff  }
0x71: {  	v6 =	vld.idx.msk [tilespmem:v3+s13+$0x10 ss:$0x1], $0xffff  }
0x72: {  	v7 =	vld.idx.msk [tilespmem:v0+s13+$0xFFFFFFE0 ss:$0x1], $0xffff  }
0x73: {  	v8 =	vld.idx.msk [tilespmem:v1+s13+$0xFFFFFFE0 ss:$0x1], $0xffff;
	_ =	sdelay $0x4  }
0x74: {  	v5 =	vmul.f32 v6, v5;
	v6 =	vmul.f32 v7, v8;
	_ =	sdelay $0x1  }
0x75: {  	v5 =	vadd.f32 v6, v5;
	_ =	sdelay $0x1  }
0x76: {  	[tilespmem:v4+s13+$0xFFFFFFE0 ss:$0x1] =	vst.idx.msk $0xffff, v5  }
0x77: {  	v5 =	vld.idx.msk [tilespmem:v2+s13+$0x20 ss:$0x1], $0xffff  }
0x78: {  	v6 =	vld.idx.msk [tilespmem:v3+s13+$0x20 ss:$0x1], $0xffff  }
0x79: {  	s14 =	simm.s32 $0x1000;
	v7 =	vld.idx.msk [tilespmem:v1+s13+$0xFFFFFFF0 ss:$0x1], $0xffff  }
.LBB2_5:
0x7a: {  	p1 =	sne.s32 s14, $0x2000;
	v8 =	vld.idx.msk [tilespmem:v0+s13+$0xFFFFFFF0 ss:$0x1], $0xffff;
	s5 =	smov.u32 s14;
	s14 =	sadd.s32 $0x1000, s14  }
0x7b: {  	_ =	sdelay $0x2  }
0x7c: {  	v5 =	vmul.f32 v6, v5;
	_ =	sdelay $0x1  }
0x7d: {  	v6 =	vmul.f32 v8, v7;
	_ =	sdelay $0x1  }
0x7e: {  	v5 =	vadd.f32 v6, v5;
	_ =	sdelay $0x1  }
0x7f: {  	[tilespmem:v4+s13+$0xFFFFFFF0 ss:$0x1] =	vst.idx.msk $0xffff, v5  }
0x80: {  	v5 =	vld.idx.msk [tilespmem:v2+s13+$0x30 ss:$0x1], $0xffff  }
0x81: {  	v6 =	vld.idx.msk [tilespmem:v0+s13+$0x0 ss:$0x1], $0xffff  }
0x82: {  	v7 =	vld.idx.msk [tilespmem:v3+s13+$0x30 ss:$0x1], $0xffff  }
0x83: {  	v8 =	vld.idx.msk [tilespmem:v1+s13+$0x0 ss:$0x1], $0xffff;
	_ =	sdelay $0x4  }
0x84: {  	v5 =	vmul.f32 v7, v5  }
0x85: {  	v6 =	vmul.f32 v6, v8;
	_ =	sdelay $0x1  }
0x86: {  	v5 =	vadd.f32 v6, v5;
	_ =	sdelay $0x1  }
0x87: {  	[tilespmem:v4+s13+$0x0 ss:$0x1] =	vst.idx.msk $0xffff, v5;
	s13 =	sshra.s32 s5, $0x2  }
0x88: {  	v5 =	vld.idx.msk [tilespmem:v0+s13+$0xFFFFFF90 ss:$0x1], $0xffff  }
0x89: {  	v6 =	vld.idx.msk [tilespmem:v2+s13+$0xFFFFFFC0 ss:$0x1], $0xffff  }
0x8a: {  	v7 =	vld.idx.msk [tilespmem:v1+s13+$0xFFFFFF90 ss:$0x1], $0xffff  }
0x8b: {  	v8 =	vld.idx.msk [tilespmem:v3+s13+$0xFFFFFFC0 ss:$0x1], $0xffff;
	_ =	sdelay $0x4  }
0x8c: {  	v5 =	vmul.f32 v5, v7  }
0x8d: {  	v6 =	vmul.f32 v8, v6;
	_ =	sdelay $0x1  }
0x8e: {  	v5 =	vadd.f32 v5, v6;
	_ =	sdelay $0x1  }
0x8f: {  	[tilespmem:v4+s13+$0xFFFFFF90 ss:$0x1] =	vst.idx.msk $0xffff, v5  }
0x90: {  	v5 =	vld.idx.msk [tilespmem:v2+s13+$0xFFFFFFD0 ss:$0x1], $0xffff  }
0x91: {  	v6 =	vld.idx.msk [tilespmem:v3+s13+$0xFFFFFFD0 ss:$0x1], $0xffff  }
0x92: {  	v7 =	vld.idx.msk [tilespmem:v1+s13+$0xFFFFFFA0 ss:$0x1], $0xffff  }
0x93: {  	v8 =	vld.idx.msk [tilespmem:v0+s13+$0xFFFFFFA0 ss:$0x1], $0xffff;
	_ =	sdelay $0x3  }
0x94: {  	v5 =	vmul.f32 v6, v5;
	_ =	sdelay $0x1  }
0x95: {  	v6 =	vmul.f32 v8, v7;
	_ =	sdelay $0x1  }
0x96: {  	v5 =	vadd.f32 v6, v5;
	_ =	sdelay $0x1  }
0x97: {  	[tilespmem:v4+s13+$0xFFFFFFA0 ss:$0x1] =	vst.idx.msk $0xffff, v5  }
0x98: {  	v5 =	vld.idx.msk [tilespmem:v1+s13+$0xFFFFFFB0 ss:$0x1], $0xffff  }
0x99: {  	v6 =	vld.idx.msk [tilespmem:v3+s13+$0xFFFFFFE0 ss:$0x1], $0xffff  }
0x9a: {  	v7 =	vld.idx.msk [tilespmem:v2+s13+$0xFFFFFFE0 ss:$0x1], $0xffff  }
0x9b: {  	v8 =	vld.idx.msk [tilespmem:v0+s13+$0xFFFFFFB0 ss:$0x1], $0xffff;
	_ =	sdelay $0x4  }
0x9c: {  	v6 =	vmul.f32 v6, v7  }
0x9d: {  	v5 =	vmul.f32 v8, v5;
	_ =	sdelay $0x1  }
0x9e: {  	v5 =	vadd.f32 v5, v6;
	_ =	sdelay $0x1  }
0x9f: {  	[tilespmem:v4+s13+$0xFFFFFFB0 ss:$0x1] =	vst.idx.msk $0xffff, v5  }
0xa0: {  	v5 =	vld.idx.msk [tilespmem:v0+s13+$0xFFFFFFC0 ss:$0x1], $0xffff  }
0xa1: {  	v6 =	vld.idx.msk [tilespmem:v2+s13+$0xFFFFFFF0 ss:$0x1], $0xffff  }
0xa2: {  	v7 =	vld.idx.msk [tilespmem:v3+s13+$0xFFFFFFF0 ss:$0x1], $0xffff  }
0xa3: {  	v8 =	vld.idx.msk [tilespmem:v1+s13+$0xFFFFFFC0 ss:$0x1], $0xffff;
	_ =	sdelay $0x4  }
0xa4: {  	v6 =	vmul.f32 v7, v6  }
0xa5: {  	v5 =	vmul.f32 v5, v8;
	_ =	sdelay $0x1  }
0xa6: {  	v5 =	vadd.f32 v5, v6;
	_ =	sdelay $0x1  }
0xa7: {  	[tilespmem:v4+s13+$0xFFFFFFC0 ss:$0x1] =	vst.idx.msk $0xffff, v5  }
0xa8: {  	v5 =	vld.idx.msk [tilespmem:v3+s13+$0x0 ss:$0x1], $0xffff  }
0xa9: {  	v6 =	vld.idx.msk [tilespmem:v0+s13+$0xFFFFFFD0 ss:$0x1], $0xffff  }
0xaa: {  	v7 =	vld.idx.msk [tilespmem:v2+s13+$0x0 ss:$0x1], $0xffff  }
0xab: {  	v8 =	vld.idx.msk [tilespmem:v1+s13+$0xFFFFFFD0 ss:$0x1], $0xffff;
	_ =	sdelay $0x4  }
0xac: {  	v5 =	vmul.f32 v5, v7  }
0xad: {  	v6 =	vmul.f32 v6, v8;
	_ =	sdelay $0x1  }
0xae: {  	v5 =	vadd.f32 v6, v5;
	_ =	sdelay $0x1  }
0xaf: {  	[tilespmem:v4+s13+$0xFFFFFFD0 ss:$0x1] =	vst.idx.msk $0xffff, v5  }
0xb0: {  	v5 =	vld.idx.msk [tilespmem:v2+s13+$0x10 ss:$0x1], $0xffff  }
0xb1: {  	v6 =	vld.idx.msk [tilespmem:v3+s13+$0x10 ss:$0x1], $0xffff  }
0xb2: {  	v7 =	vld.idx.msk [tilespmem:v0+s13+$0xFFFFFFE0 ss:$0x1], $0xffff  }
0xb3: {  	v8 =	vld.idx.msk [tilespmem:v1+s13+$0xFFFFFFE0 ss:$0x1], $0xffff;
	_ =	sdelay $0x3  }
0xb4: {  	v5 =	vmul.f32 v6, v5;
	_ =	sdelay $0x1  }
0xb5: {  	v6 =	vmul.f32 v7, v8;
	_ =	sdelay $0x1  }
0xb6: {  	v5 =	vadd.f32 v6, v5  }
.Ltmp1:
0xb7: {  	(pc) =	sbr.rel @p1 .LBB2_5-.Ltmp1, $4  }
0xb8: {  	[tilespmem:v4+s13+$0xFFFFFFE0 ss:$0x1] =	vst.idx.msk $0xffff, v5  }
0xb9: {  	v5 =	vld.idx.msk [tilespmem:v2+s13+$0x20 ss:$0x1], $0xffff  }
0xba: {  	v6 =	vld.idx.msk [tilespmem:v3+s13+$0x20 ss:$0x1], $0xffff  }
0xbb: {  	v7 =	vld.idx.msk [tilespmem:v1+s13+$0xFFFFFFF0 ss:$0x1], $0xffff  }
0xbc: {  	_ =	sdelay $0x3  }
0xbd: {  	v8 =	vld.idx.msk [tilespmem:v0+s13+$0xFFFFFFF0 ss:$0x1], $0xffff;
	_ =	sdelay $0x4  }
0xbe: {  	v5 =	vmul.f32 v6, v5;
	v62 =	vmul.f32 v8, v7;
	_ =	sdelay $0x1  }
0xbf: {  	v5 =	vadd.f32 v62, v5;
	_ =	sdelay $0x1  }
0xc0: {  	[tilespmem:v4+s13+$0xFFFFFFF0 ss:$0x1] =	vst.idx.msk $0xffff, v5  }
0xc1: {  	v2 =	vld.idx.msk [tilespmem:v2+s13+$0x30 ss:$0x1], $0xffff  }
0xc2: {  	v63 =	vld.idx.msk [tilespmem:v0+s13+$0x0 ss:$0x1], $0xffff  }
0xc3: {  	v3 =	vld.idx.msk [tilespmem:v3+s13+$0x30 ss:$0x1], $0xffff  }
0xc4: {  	v1 =	vld.idx.msk [tilespmem:v1+s13+$0x0 ss:$0x1], $0xffff;
	_ =	sdelay $0x2  }
0xc5: {  	s1 =	sadd.s32 $0x1, s1  }
0xc6: {  	p1 =	sne.s32 s1, $0x1C  }
.Ltmp2:
0xc7: {  	v2 =	vmul.f32 v3, v2;
	v0 =	vmul.f32 v63, v1;
	(pc) =	sbr.rel @p1 .LBB2_4-.Ltmp2, $3  }
0xc8: {  	_ = 	snop  }
0xc9: {  	v0 =	vadd.f32 v0, v2;
	_ =	sdelay $0x1  }
0xca: {  	s0 =	sadd.s32 $0x1, s0;
	[tilespmem:v4+s13+$0x0 ss:$0x1] =	vst.idx.msk $0xffff, v0  }
0xcb: {  	s0 =	sadd.s32 s3, s31;
	s1 =	smul.u32 $0x54000, s30  }
0xcc: {  	s0 =	sshrl.u32 s0, $0x3  }
0xcd: {  	s0 =	sadd.s32 s6, s0;
	s14 =	sadd.s32 s3, s1  }
0xce: {  	[hbm4b:s0+s2] =	stream.linear.scatter [tilespmem:s21], [sflag:$0x5], $0x3000, $0x38;
	[tilespmem:$0x18080] =	vst v63  }
0xcf: {  	s0 =	sadd.s32 $0xA8000, s14  }
0xd0: {  	s0 =	sshrl.u32 s0, $0x3  }
0xd1: {  	s0 =	sadd.s32 s4, s0  }
0xd2: {  	[tilespmem:s15], [sflag:$0x1] =	stream.linear.gather [hbm4b:s0+s2], $0x3000, $0x38;
	[tilespmem:$0x18080] =	vst v63  }
0xd3: {  	v0 =	vld [tilespmem:s30+$0x18002];
	_ =	sdelay $0x4  }
0xd4: {  	(v2sf) =	vpush v0, $0x0;
	_ =	sdelay $0xe  }
0xd5: {  	s31 =	spop (v2sf)  }
0xd6: {  	s0 =	smul.u32 $0x54000, s31;
	_ =	sdelay $0x1  }
0xd7: {  	s0 =	sadd.s32 s3, s0  }
0xd8: {  	s0 =	sshrl.u32 s0, $0x3  }
0xd9: {  	s0 =	sadd.s32 s4, s0  }
0xda: {  	[tilespmem:s16], [sflag:$0x2] =	stream.linear.gather [hbm4b:s0+s2], $0x3000, $0x38;
	[tilespmem:$0x18080] =	vst v63  }
0xdb: {  	_ =	swait.ge [sflag:s22], $0x3000  }
0xdc: {  	[sflag:s22] =	ssyncset.done $0x0  }
0xdd: {  	[sflag:s22] =	ssyncadd.s32 $0xFFFFD000  }
0xde: {  	_ =	swait.ge [sflag:s23], $0x3000  }
0xdf: {  	[sflag:s23] =	ssyncset.done $0x0  }
0xe0: {  	s0 =	simm.s32 @!p0 $0x6;
	[sflag:s23] =	ssyncadd.s32 $0xFFFFD000  }
0xe1: {  	_ =	swait.ge @!p0 [sflag:s0], $0x3000  }
0xe2: {  	[sflag:s0] =	ssyncset.done @!p0 $0x0  }
0xe3: {  	s1 =	simm.s32 $0x0;
	[sflag:s0] =	ssyncadd.s32 @!p0 $0xFFFFD000;
	s0 =	simm.s32 $0x0  }
.LBB2_8:
0xe4: {  	s5 =	sshrl.u32 s1, $0x3  }
0xe5: {  	s13 =	sand.u32 $0x7, s0;
	s5 =	smul.u32 $0x3000, s5  }
0xe6: {  	s13 =	sshll.u32 s13, $0x9  }
0xe7: {  	s5 =	sor.u32 s13, s5  }
0xe8: {  	s5 =	sshra.s32 s5, $0x2  }
0xe9: {  	s31 =	sadd.s32 $0x3070, s5  }
0xea: {  	s14 =	sadd.s32 $0xC040, s5;
	v0 =	vmov s31  }
0xeb: {  	s30 =	sadd.s32 $0xF070, s5;
	v2 =	vmov s14  }
0xec: {  	s31 =	sor.u32 $0x40, s5;
	v1 =	vmov s30  }
0xed: {  	v3 =	vmov s31  }
0xee: {  	s13 =	simm.s32 $0x0  }
0xef: {  	v5 =	vld.idx.msk [tilespmem:v0+s13+$0xFFFFFF90 ss:$0x1], $0xffff  }
0xf0: {  	v6 =	vld.idx.msk [tilespmem:v2+s13+$0xFFFFFFC0 ss:$0x1], $0xffff  }
0xf1: {  	v7 =	vld.idx.msk [tilespmem:v1+s13+$0xFFFFFF90 ss:$0x1], $0xffff  }
0xf2: {  	v8 =	vld.idx.msk [tilespmem:v3+s13+$0xFFFFFFC0 ss:$0x1], $0xffff;
	_ =	sdelay $0x2  }
0xf3: {  	s5 =	sadd.s32 $0x15070, s5  }
0xf4: {  	v4 =	vmov s5  }
0xf5: {  	v5 =	vmul.f32 v5, v7;
	v6 =	vmul.f32 v8, v6;
	_ =	sdelay $0x1  }
0xf6: {  	v5 =	vadd.f32 v5, v6;
	_ =	sdelay $0x1  }
0xf7: {  	[tilespmem:v4+s13+$0xFFFFFF90 ss:$0x1] =	vst.idx.msk $0xffff, v5  }
0xf8: {  	v5 =	vld.idx.msk [tilespmem:v2+s13+$0xFFFFFFD0 ss:$0x1], $0xffff  }
0xf9: {  	v6 =	vld.idx.msk [tilespmem:v3+s13+$0xFFFFFFD0 ss:$0x1], $0xffff  }
0xfa: {  	v7 =	vld.idx.msk [tilespmem:v1+s13+$0xFFFFFFA0 ss:$0x1], $0xffff  }
0xfb: {  	v8 =	vld.idx.msk [tilespmem:v0+s13+$0xFFFFFFA0 ss:$0x1], $0xffff;
	_ =	sdelay $0x4  }
0xfc: {  	v5 =	vmul.f32 v6, v5;
	v6 =	vmul.f32 v8, v7;
	_ =	sdelay $0x1  }
0xfd: {  	v5 =	vadd.f32 v6, v5;
	_ =	sdelay $0x1  }
0xfe: {  	[tilespmem:v4+s13+$0xFFFFFFA0 ss:$0x1] =	vst.idx.msk $0xffff, v5  }
0xff: {  	v5 =	vld.idx.msk [tilespmem:v1+s13+$0xFFFFFFB0 ss:$0x1], $0xffff  }
0x100: {  	v6 =	vld.idx.msk [tilespmem:v3+s13+$0xFFFFFFE0 ss:$0x1], $0xffff  }
0x101: {  	v7 =	vld.idx.msk [tilespmem:v2+s13+$0xFFFFFFE0 ss:$0x1], $0xffff  }
0x102: {  	v8 =	vld.idx.msk [tilespmem:v0+s13+$0xFFFFFFB0 ss:$0x1], $0xffff;
	_ =	sdelay $0x4  }
0x103: {  	v6 =	vmul.f32 v6, v7;
	v5 =	vmul.f32 v8, v5;
	_ =	sdelay $0x1  }
0x104: {  	v5 =	vadd.f32 v5, v6;
	_ =	sdelay $0x1  }
0x105: {  	[tilespmem:v4+s13+$0xFFFFFFB0 ss:$0x1] =	vst.idx.msk $0xffff, v5  }
0x106: {  	v5 =	vld.idx.msk [tilespmem:v0+s13+$0xFFFFFFC0 ss:$0x1], $0xffff  }
0x107: {  	v6 =	vld.idx.msk [tilespmem:v2+s13+$0xFFFFFFF0 ss:$0x1], $0xffff  }
0x108: {  	v7 =	vld.idx.msk [tilespmem:v3+s13+$0xFFFFFFF0 ss:$0x1], $0xffff  }
0x109: {  	v8 =	vld.idx.msk [tilespmem:v1+s13+$0xFFFFFFC0 ss:$0x1], $0xffff;
	_ =	sdelay $0x4  }
0x10a: {  	v6 =	vmul.f32 v7, v6;
	v5 =	vmul.f32 v5, v8;
	_ =	sdelay $0x1  }
0x10b: {  	v5 =	vadd.f32 v5, v6;
	_ =	sdelay $0x1  }
0x10c: {  	[tilespmem:v4+s13+$0xFFFFFFC0 ss:$0x1] =	vst.idx.msk $0xffff, v5  }
0x10d: {  	v5 =	vld.idx.msk [tilespmem:v3+s13+$0x0 ss:$0x1], $0xffff  }
0x10e: {  	v6 =	vld.idx.msk [tilespmem:v0+s13+$0xFFFFFFD0 ss:$0x1], $0xffff  }
0x10f: {  	v7 =	vld.idx.msk [tilespmem:v2+s13+$0x0 ss:$0x1], $0xffff  }
0x110: {  	v8 =	vld.idx.msk [tilespmem:v1+s13+$0xFFFFFFD0 ss:$0x1], $0xffff;
	_ =	sdelay $0x4  }
0x111: {  	v5 =	vmul.f32 v5, v7;
	v6 =	vmul.f32 v6, v8;
	_ =	sdelay $0x1  }
0x112: {  	v5 =	vadd.f32 v6, v5;
	_ =	sdelay $0x1  }
0x113: {  	[tilespmem:v4+s13+$0xFFFFFFD0 ss:$0x1] =	vst.idx.msk $0xffff, v5  }
0x114: {  	v5 =	vld.idx.msk [tilespmem:v2+s13+$0x10 ss:$0x1], $0xffff  }
0x115: {  	v6 =	vld.idx.msk [tilespmem:v3+s13+$0x10 ss:$0x1], $0xffff  }
0x116: {  	v7 =	vld.idx.msk [tilespmem:v0+s13+$0xFFFFFFE0 ss:$0x1], $0xffff  }
0x117: {  	v8 =	vld.idx.msk [tilespmem:v1+s13+$0xFFFFFFE0 ss:$0x1], $0xffff;
	_ =	sdelay $0x4  }
0x118: {  	v5 =	vmul.f32 v6, v5;
	v6 =	vmul.f32 v7, v8;
	_ =	sdelay $0x1  }
0x119: {  	v5 =	vadd.f32 v6, v5;
	_ =	sdelay $0x1  }
0x11a: {  	[tilespmem:v4+s13+$0xFFFFFFE0 ss:$0x1] =	vst.idx.msk $0xffff, v5  }
0x11b: {  	v5 =	vld.idx.msk [tilespmem:v2+s13+$0x20 ss:$0x1], $0xffff  }
0x11c: {  	v6 =	vld.idx.msk [tilespmem:v3+s13+$0x20 ss:$0x1], $0xffff  }
0x11d: {  	s14 =	simm.s32 $0x1000;
	v7 =	vld.idx.msk [tilespmem:v1+s13+$0xFFFFFFF0 ss:$0x1], $0xffff  }
.LBB2_9:
0x11e: {  	p1 =	sne.s32 s14, $0x2000;
	v8 =	vld.idx.msk [tilespmem:v0+s13+$0xFFFFFFF0 ss:$0x1], $0xffff;
	s5 =	smov.u32 s14;
	s14 =	sadd.s32 $0x1000, s14  }
0x11f: {  	_ =	sdelay $0x2  }
0x120: {  	v5 =	vmul.f32 v6, v5;
	_ =	sdelay $0x1  }
0x121: {  	v6 =	vmul.f32 v8, v7;
	_ =	sdelay $0x1  }
0x122: {  	v5 =	vadd.f32 v6, v5;
	_ =	sdelay $0x1  }
0x123: {  	[tilespmem:v4+s13+$0xFFFFFFF0 ss:$0x1] =	vst.idx.msk $0xffff, v5  }
0x124: {  	v5 =	vld.idx.msk [tilespmem:v2+s13+$0x30 ss:$0x1], $0xffff  }
0x125: {  	v6 =	vld.idx.msk [tilespmem:v0+s13+$0x0 ss:$0x1], $0xffff  }
0x126: {  	v7 =	vld.idx.msk [tilespmem:v3+s13+$0x30 ss:$0x1], $0xffff  }
0x127: {  	v8 =	vld.idx.msk [tilespmem:v1+s13+$0x0 ss:$0x1], $0xffff;
	_ =	sdelay $0x4  }
0x128: {  	v5 =	vmul.f32 v7, v5  }
0x129: {  	v6 =	vmul.f32 v6, v8;
	_ =	sdelay $0x1  }
0x12a: {  	v5 =	vadd.f32 v6, v5;
	_ =	sdelay $0x1  }
0x12b: {  	[tilespmem:v4+s13+$0x0 ss:$0x1] =	vst.idx.msk $0xffff, v5;
	s13 =	sshra.s32 s5, $0x2  }
0x12c: {  	v5 =	vld.idx.msk [tilespmem:v0+s13+$0xFFFFFF90 ss:$0x1], $0xffff  }
0x12d: {  	v6 =	vld.idx.msk [tilespmem:v2+s13+$0xFFFFFFC0 ss:$0x1], $0xffff  }
0x12e: {  	v7 =	vld.idx.msk [tilespmem:v1+s13+$0xFFFFFF90 ss:$0x1], $0xffff  }
0x12f: {  	v8 =	vld.idx.msk [tilespmem:v3+s13+$0xFFFFFFC0 ss:$0x1], $0xffff;
	_ =	sdelay $0x4  }
0x130: {  	v5 =	vmul.f32 v5, v7  }
0x131: {  	v6 =	vmul.f32 v8, v6;
	_ =	sdelay $0x1  }
0x132: {  	v5 =	vadd.f32 v5, v6;
	_ =	sdelay $0x1  }
0x133: {  	[tilespmem:v4+s13+$0xFFFFFF90 ss:$0x1] =	vst.idx.msk $0xffff, v5  }
0x134: {  	v5 =	vld.idx.msk [tilespmem:v2+s13+$0xFFFFFFD0 ss:$0x1], $0xffff  }
0x135: {  	v6 =	vld.idx.msk [tilespmem:v3+s13+$0xFFFFFFD0 ss:$0x1], $0xffff  }
0x136: {  	v7 =	vld.idx.msk [tilespmem:v1+s13+$0xFFFFFFA0 ss:$0x1], $0xffff  }
0x137: {  	v8 =	vld.idx.msk [tilespmem:v0+s13+$0xFFFFFFA0 ss:$0x1], $0xffff;
	_ =	sdelay $0x3  }
0x138: {  	v5 =	vmul.f32 v6, v5;
	_ =	sdelay $0x1  }
0x139: {  	v6 =	vmul.f32 v8, v7;
	_ =	sdelay $0x1  }
0x13a: {  	v5 =	vadd.f32 v6, v5;
	_ =	sdelay $0x1  }
0x13b: {  	[tilespmem:v4+s13+$0xFFFFFFA0 ss:$0x1] =	vst.idx.msk $0xffff, v5  }
0x13c: {  	v5 =	vld.idx.msk [tilespmem:v1+s13+$0xFFFFFFB0 ss:$0x1], $0xffff  }
0x13d: {  	v6 =	vld.idx.msk [tilespmem:v3+s13+$0xFFFFFFE0 ss:$0x1], $0xffff  }
0x13e: {  	v7 =	vld.idx.msk [tilespmem:v2+s13+$0xFFFFFFE0 ss:$0x1], $0xffff  }
0x13f: {  	v8 =	vld.idx.msk [tilespmem:v0+s13+$0xFFFFFFB0 ss:$0x1], $0xffff;
	_ =	sdelay $0x4  }
0x140: {  	v6 =	vmul.f32 v6, v7  }
0x141: {  	v5 =	vmul.f32 v8, v5;
	_ =	sdelay $0x1  }
0x142: {  	v5 =	vadd.f32 v5, v6;
	_ =	sdelay $0x1  }
0x143: {  	[tilespmem:v4+s13+$0xFFFFFFB0 ss:$0x1] =	vst.idx.msk $0xffff, v5  }
0x144: {  	v5 =	vld.idx.msk [tilespmem:v0+s13+$0xFFFFFFC0 ss:$0x1], $0xffff  }
0x145: {  	v6 =	vld.idx.msk [tilespmem:v2+s13+$0xFFFFFFF0 ss:$0x1], $0xffff  }
0x146: {  	v7 =	vld.idx.msk [tilespmem:v3+s13+$0xFFFFFFF0 ss:$0x1], $0xffff  }
0x147: {  	v8 =	vld.idx.msk [tilespmem:v1+s13+$0xFFFFFFC0 ss:$0x1], $0xffff;
	_ =	sdelay $0x4  }
0x148: {  	v6 =	vmul.f32 v7, v6  }
0x149: {  	v5 =	vmul.f32 v5, v8;
	_ =	sdelay $0x1  }
0x14a: {  	v5 =	vadd.f32 v5, v6;
	_ =	sdelay $0x1  }
0x14b: {  	[tilespmem:v4+s13+$0xFFFFFFC0 ss:$0x1] =	vst.idx.msk $0xffff, v5  }
0x14c: {  	v5 =	vld.idx.msk [tilespmem:v3+s13+$0x0 ss:$0x1], $0xffff  }
0x14d: {  	v6 =	vld.idx.msk [tilespmem:v0+s13+$0xFFFFFFD0 ss:$0x1], $0xffff  }
0x14e: {  	v7 =	vld.idx.msk [tilespmem:v2+s13+$0x0 ss:$0x1], $0xffff  }
0x14f: {  	v8 =	vld.idx.msk [tilespmem:v1+s13+$0xFFFFFFD0 ss:$0x1], $0xffff;
	_ =	sdelay $0x4  }
0x150: {  	v5 =	vmul.f32 v5, v7  }
0x151: {  	v6 =	vmul.f32 v6, v8;
	_ =	sdelay $0x1  }
0x152: {  	v5 =	vadd.f32 v6, v5;
	_ =	sdelay $0x1  }
0x153: {  	[tilespmem:v4+s13+$0xFFFFFFD0 ss:$0x1] =	vst.idx.msk $0xffff, v5  }
0x154: {  	v5 =	vld.idx.msk [tilespmem:v2+s13+$0x10 ss:$0x1], $0xffff  }
0x155: {  	v6 =	vld.idx.msk [tilespmem:v3+s13+$0x10 ss:$0x1], $0xffff  }
0x156: {  	v7 =	vld.idx.msk [tilespmem:v0+s13+$0xFFFFFFE0 ss:$0x1], $0xffff  }
0x157: {  	v8 =	vld.idx.msk [tilespmem:v1+s13+$0xFFFFFFE0 ss:$0x1], $0xffff;
	_ =	sdelay $0x3  }
0x158: {  	v5 =	vmul.f32 v6, v5;
	_ =	sdelay $0x1  }
0x159: {  	v6 =	vmul.f32 v7, v8;
	_ =	sdelay $0x1  }
0x15a: {  	v5 =	vadd.f32 v6, v5  }
.Ltmp3:
0x15b: {  	(pc) =	sbr.rel @p1 .LBB2_9-.Ltmp3, $4  }
0x15c: {  	[tilespmem:v4+s13+$0xFFFFFFE0 ss:$0x1] =	vst.idx.msk $0xffff, v5  }
0x15d: {  	v5 =	vld.idx.msk [tilespmem:v2+s13+$0x20 ss:$0x1], $0xffff  }
0x15e: {  	v6 =	vld.idx.msk [tilespmem:v3+s13+$0x20 ss:$0x1], $0xffff  }
0x15f: {  	v7 =	vld.idx.msk [tilespmem:v1+s13+$0xFFFFFFF0 ss:$0x1], $0xffff  }
0x160: {  	_ =	sdelay $0x3  }
0x161: {  	v8 =	vld.idx.msk [tilespmem:v0+s13+$0xFFFFFFF0 ss:$0x1], $0xffff;
	_ =	sdelay $0x4  }
0x162: {  	v5 =	vmul.f32 v6, v5;
	v62 =	vmul.f32 v8, v7;
	_ =	sdelay $0x1  }
0x163: {  	v5 =	vadd.f32 v62, v5;
	_ =	sdelay $0x1  }
0x164: {  	[tilespmem:v4+s13+$0xFFFFFFF0 ss:$0x1] =	vst.idx.msk $0xffff, v5  }
0x165: {  	v2 =	vld.idx.msk [tilespmem:v2+s13+$0x30 ss:$0x1], $0xffff  }
0x166: {  	v63 =	vld.idx.msk [tilespmem:v0+s13+$0x0 ss:$0x1], $0xffff  }
0x167: {  	v3 =	vld.idx.msk [tilespmem:v3+s13+$0x30 ss:$0x1], $0xffff  }
0x168: {  	v1 =	vld.idx.msk [tilespmem:v1+s13+$0x0 ss:$0x1], $0xffff;
	_ =	sdelay $0x2  }
0x169: {  	s1 =	sadd.s32 $0x1, s1  }
0x16a: {  	p1 =	sne.s32 s1, $0x1C  }
.Ltmp4:
0x16b: {  	v2 =	vmul.f32 v3, v2;
	v0 =	vmul.f32 v63, v1;
	(pc) =	sbr.rel @p1 .LBB2_8-.Ltmp4, $3  }
0x16c: {  	_ = 	snop  }
0x16d: {  	v0 =	vadd.f32 v0, v2;
	_ =	sdelay $0x1  }
0x16e: {  	s0 =	sadd.s32 $0x1, s0;
	[tilespmem:v4+s13+$0x0 ss:$0x1] =	vst.idx.msk $0xffff, v0  }
.Ltmp5:
0x16f: {  	(pc) =	sbr.rel @p0 .LBB2_3-.Ltmp5, $4  }
0x170: {  	_ = 	snop  }
0x171: {  	s0 =	sadd.s32 s6, s29  }
0x172: {  	[hbm4b:s0+s2] =	stream.linear.scatter [tilespmem:s24], [sflag:$0x6], $0x3000, $0x38;
	[tilespmem:$0x18080] =	vst v63  }
0x173: {  	p1 =	por $0x0, $0x0;
	s0 =	simm.s32 $0x1  }
0x174: {  	s28 =	sadd.s32 $0x1, s28  }
0x175: {  	_ =	swait.ge [sflag:s25], $0x3000;
	p0 =	sne.s32 s28, s11  }
.Ltmp6:
0x176: {  	[sflag:s25] =	ssyncset.done $0x0;
	(pc) =	sbr.rel @p0 .LBB2_2-.Ltmp6, $4  }
0x177: {  	[sflag:s25] =	ssyncadd.s32 $0xFFFFD000  }
0x178: {  	_ =	swait.ge [sflag:s26], $0x3000  }
0x179: {  	[sflag:s26] =	ssyncset.done $0x0  }
0x17a: {  	[sflag:s26] =	ssyncadd.s32 $0xFFFFD000  }
.LBB2_13:
0x17b: {  	_ =	sfence.sel $0x180000  }
0x17c: {  	[bflag:$0x0] =	sbarrier.arrive $0xFFFF  }
0x17d: {  	_ =	strace $0x90000047  }
0x17e: {  	s0 =	stileid.u32;
	[bflag:$0x2] =	sbarrier.arrive $0xFFFF  }
0x17f: {  	p0 =	sne.s32 s0, $0x0;
	s0 =	rddreg [dreg:$0x2]  }
0x180: {  	s0 =	sadd.s32 @!p0 $0x100000, s0  }
0x181: {  	[sflag:s0] =	ssyncadd.tile.s32 @!p0 $0x1;
	_ =	shalt  }
.Lfunc_end2:
_tile_overlayer_lowered:
.L_overlay_start_2:
0x182: {  	(tag) =	ssettag $0x2  }
0x183: {  	s0 =	rddreg [dreg:$0x0];
	s2 =	stileid.u32  }
0x184: {  	s1 =	rddreg [dreg:$0x1];
	p0 =	sne.s32 s2, $0x0  }
0x185: {  	s3 =	rddreg [dreg:$0x2];
	[bflag:$0x3] =	sbarrier.arrive $0xFFFF;
	s2 =	simm.s32 @!p0 $0x1C07  }
0x186: {  	[timem:s3], [sflag:s2] =	dma.local @!p0 [hbm:s0], s1  }
0x187: {  	s0 =	simm.s32 @!p0 $0x7  }
0x188: {  	_ =	swait.ge @!p0 [sflag:s0], s1  }
0x189: {  	s1 =	ssub.s32 @!p0 $0x0, s1;
	[sflag:s0] =	ssyncset.done @!p0 $0x0  }
0x18a: {  	[sflag:s0] =	ssyncadd.s32 @!p0 s1  }
0x18b: {  	[bflag:$0x3] =	sbarrier.arrive $0xFFFF  }
0x18c: {  	_ =	shalt  }

</sc_bundles>
